<compile_context>
chip_gen: v7x
topology: tpu7x:2x2x1
jax: 0.10.2.dev20260603
libtpu: 0.0.44.dev20260713+nightly
codegen_flags: <defaults>
</compile_context>

<pallas_src>
import functools

import jax
import jax.numpy as jnp
from jax import lax
from jax.experimental import pallas as pl
from jax.experimental.pallas import tpu as pltpu
from jax.experimental.pallas import tpu_sc as plsc

B, C, N, K = 4, 64, 10000, 16
NK = N * K
NSC = 32
IW = 128
RPC = 2
NROWS = B * NK // IW
NCHUNKS = NROWS // RPC
CHUNK = RPC * IW

_sc_mesh = plsc.VectorSubcoreMesh(core_axis_name="c", subcore_axis_name="s")


@functools.partial(
    pl.kernel,
    mesh=_sc_mesh,
    compiler_params=pltpu.CompilerParams(
        use_tc_tiling_on_sc=False, needs_layout_passes=False
    ),
    out_type=jax.ShapeDtypeStruct((B * NK, 2 * C), jnp.float32),
    scratch_types=[
        pltpu.VMEM((RPC, IW), jnp.int32),
        pltpu.VMEM((RPC, IW), jnp.int32),
        pltpu.VMEM((CHUNK, 2 * C), jnp.float32),
        pltpu.VMEM((CHUNK, 2 * C), jnp.float32),
        pltpu.SemaphoreType.DMA,
        pltpu.SemaphoreType.DMA,
        pltpu.SemaphoreType.DMA,
        pltpu.SemaphoreType.DMA,
    ],
)
def _sc_gather(
    ftab_hbm, idx_hbm, gath_hbm,
    idx_buf0, idx_buf1, rows_buf0, rows_buf1, sem_g0, sem_g1, sem_w0, sem_w1,
):
    wid = lax.axis_index("s") * 2 + lax.axis_index("c")
    idx_bufs = (idx_buf0, idx_buf1)
    rows_bufs = (rows_buf0, rows_buf1)
    sems_g = (sem_g0, sem_g1)
    sems_w = (sem_w0, sem_w1)
    niter = (NCHUNKS + 2 * NSC - 1) // (2 * NSC)

    def chunk_of(u, p):
        return wid + NSC * (2 * u + p)

    def wait_writeout(c, p):
        pltpu.make_async_copy(
            rows_bufs[p], gath_hbm.at[pl.ds(c * CHUNK, CHUNK), :], sems_w[p]
        ).wait()

    def step(u, carry):
        for p in range(2):
            cprev = chunk_of(u - 1, p)

            @pl.when(jnp.logical_and(u > 0, cprev < NCHUNKS))
            def _(cprev=cprev, p=p):
                wait_writeout(cprev, p)

        for p in range(2):
            c = chunk_of(u, p)

            @pl.when(c < NCHUNKS)
            def _(c=c, p=p):
                pltpu.sync_copy(
                    idx_hbm.at[pl.ds(c * RPC, RPC), :], idx_bufs[p]
                )
                for r in range(RPC):
                    pltpu.async_copy(
                        ftab_hbm.at[idx_bufs[p].at[r]],
                        rows_bufs[p].at[pl.ds(r * IW, IW), :],
                        sems_g[p],
                    )

        for p in range(2):
            c = chunk_of(u, p)

            @pl.when(c < NCHUNKS)
            def _(c=c, p=p):
                for r in range(RPC):
                    pltpu.make_async_copy(
                        ftab_hbm.at[idx_bufs[p].at[r]],
                        rows_bufs[p].at[pl.ds(r * IW, IW), :],
                        sems_g[p],
                    ).wait()
                pltpu.async_copy(
                    rows_bufs[p],
                    gath_hbm.at[pl.ds(c * CHUNK, CHUNK), :],
                    sems_w[p],
                )

        return carry

    lax.fori_loop(0, niter, step, 0)
    for p in range(2):
        c = chunk_of(niter - 1, p)

        @pl.when(c < NCHUNKS)
        def _(c=c, p=p):
            wait_writeout(c, p)


_JB = 8000


def _concat_body(rpe_ref, gath_ref, out_ref):
    out_ref[0] = jnp.concatenate(
        [rpe_ref[0], gath_ref[0][:, 0:C]], axis=1
    )


def _tc_concat(rpe_t, gath2):
    return pl.pallas_call(
        _concat_body,
        grid=(B, NK // _JB),
        in_specs=[
            pl.BlockSpec((1, _JB, C), lambda b, j: (b, j, 0)),
            pl.BlockSpec((1, _JB, 2 * C), lambda b, j: (b, j, 0)),
        ],
        out_specs=pl.BlockSpec((1, _JB, 2 * C), lambda b, j: (b, j, 0)),
        out_shape=jax.ShapeDtypeStruct((B, NK, 2 * C), jnp.float32),
    )(rpe_t, gath2)


def kernel(relative_position_encoding, features, neighbors):
    ftab = jnp.transpose(features[:, :, :, 0], (0, 2, 1)).reshape(B * N, C)
    ftab = jnp.pad(ftab, ((0, 0), (0, C)))
    rpe_t = jnp.transpose(relative_position_encoding, (0, 2, 3, 1)).reshape(
        B, NK, C
    )
    idxg = neighbors + (jnp.arange(B, dtype=jnp.int32) * N)[:, None, None]
    idxg = idxg.reshape(NROWS, IW)
    gath2 = _sc_gather(ftab, idxg).reshape(B, NK, 2 * C)
    out = _tc_concat(rpe_t, gath2)
    return jnp.transpose(out.reshape(B, N, K, 2 * C), (0, 3, 1, 2))

# --- scband reference (transcript-rebuilt; emitter-appended) ---
"""Pipeline reference for scband-point-feature-augmentation-15925738734007 (READ-ONLY COPY).

The authoritative reference and input builder live on the scoring server;
editing this copy changes nothing except your own understanding.
"""

import jax, jax.numpy as jnp
import numpy as np


def setup_inputs(seed: int = 0) -> dict:
    key = jax.random.key(seed)
    k1, k2, k3 = jax.random.split(key, 3)
    B, C, N, K = 4, 64, 10000, 16
    relative_position_encoding = jax.random.normal(k1, (B, C, N, K), dtype=jnp.float32)
    features = jax.random.normal(k2, (B, C, N, 1), dtype=jnp.float32)
    neighbors = jax.random.randint(k3, (B, N, K), 0, N, dtype=jnp.int32)
    return {
        "relative_position_encoding": relative_position_encoding,
        "features": features,
        "neighbors": neighbors,
    }


def reference(relative_position_encoding, features, neighbors):
    # relative_position_encoding: (B, C, N, K)
    # features: (B, C, N, 1)
    # neighbors: (B, N, K) int indices into the N axis
    B, N, K = neighbors.shape
    C = features.shape[1]
    # torch: expanded_features = features.expand(B, C, N, K)
    #        neighbor_features = gather(expanded_features, dim=2, index=neighbors expanded over C)
    # i.e. neighbor_features[b, c, n, k] = features[b, c, neighbors[b, n, k], 0]
    feat = features[:, :, :, 0]  # (B, C, N)
    idx = neighbors.reshape(B, 1, N * K)  # broadcast over channel axis
    neighbor_features = jnp.take_along_axis(feat, idx, axis=2).reshape(B, C, N, K)
    # concat along dim=-3 (channel axis)
    return jnp.concatenate((relative_position_encoding, neighbor_features), axis=1)

if __name__ == "__main__":
    import jax
    _d = setup_inputs()
    print(jax.jit(kernel)(*tuple(_d.values())))

</pallas_src>

<mosaic_0001>
#map = affine_map<(d0, d1) -> (0, 0)>
module attributes {stable_mosaic.version = 14 : i64} {
  func.func @_sc_gather(%arg0: i32, %arg1: i32, %arg2: memref<40000x128xf32, #tpu.memory_space<hbm>>, %arg3: memref<5000x128xi32, #tpu.memory_space<hbm>>, %arg4: memref<640000x128xf32, #tpu.memory_space<hbm>>, %arg5: memref<2x128xi32, #tpu.memory_space<vmem>>, %arg6: memref<2x128xi32, #tpu.memory_space<vmem>>, %arg7: memref<256x128xf32, #tpu.memory_space<vmem>>, %arg8: memref<256x128xf32, #tpu.memory_space<vmem>>, %arg9: memref<!tpu.dma_semaphore, #tpu.memory_space<semaphore_mem>>, %arg10: memref<!tpu.dma_semaphore, #tpu.memory_space<semaphore_mem>>, %arg11: memref<!tpu.dma_semaphore, #tpu.memory_space<semaphore_mem>>, %arg12: memref<!tpu.dma_semaphore, #tpu.memory_space<semaphore_mem>>) attributes {dimension_semantics = [#tpu.dimension_semantics<core_parallel>, #tpu.dimension_semantics<subcore_parallel>], iteration_bounds = array<i64: 2, 16>, scalar_prefetch = 0 : i64, scratch_operands = 8 : i64, tpu.core_type = #tpu.core_type<sc_vector_subcore>, window_params = [{transform_indices = #map}, {transform_indices = #map}, {transform_indices = #map}]} {
    %mul3A = arith.constant 2 : i32
    %mul3A_0 = arith.muli %arg1, %mul3A : i32
    %add3A = arith.addi %mul3A_0, %arg0 : i32
    %scan3A = arith.constant 0 : i32
    %scan3A_1 = arith.constant 0 : i32
    %scan3A_2 = arith.constant 40 : i32
    %scan3A_3 = arith.addi %scan3A_1, %scan3A_2 : i32
    %scan3A_4 = arith.constant 1 : i32
    scf.for %scan3A_17 = %scan3A_1 to %scan3A_3 step %scan3A_4  : i32 {
      %sub3A = arith.constant 1 : i32
      %sub3A_18 = arith.subi %scan3A_17, %sub3A : i32
      %mul3A_19 = arith.constant 2 : i32
      %mul3A_20 = arith.muli %mul3A_19, %sub3A_18 : i32
      %add3A_21 = arith.constant 0 : i32
      %add3A_22 = arith.addi %mul3A_20, %add3A_21 : i32
      %mul3A_23 = arith.constant 32 : i32
      %mul3A_24 = arith.muli %mul3A_23, %add3A_22 : i32
      %add3A_25 = arith.addi %add3A, %mul3A_24 : i32
      %gt3A = arith.constant 0 : i32
      %gt3A_26 = arith.cmpi sgt, %scan3A_17, %gt3A : i32
      %lt3A_27 = arith.constant 2500 : i32
      %lt3A_28 = arith.cmpi slt, %add3A_25, %lt3A_27 : i32
      %and3A = arith.andi %gt3A_26, %lt3A_28 : i1
      %convert_element_type3A_29 = arith.extui %and3A : i1 to i32
      %cond3A_30 = arith.constant 0 : i32
      %cond3A_31 = arith.cmpi ne, %convert_element_type3A_29, %cond3A_30 : i32
      scf.if %cond3A_31 {
        %mul3A_97 = arith.constant 256 : i32
        %mul3A_98 = arith.muli %add3A_25, %mul3A_97 : i32
        %dma_wait3A = arith.constant 0 : i32
        %dma_wait3A_99 = tpu.memref_slice %arg4[%mul3A_98, %dma_wait3A] : memref<640000x128xf32, #tpu.memory_space<hbm>> -> memref<256x128xf32, #tpu.memory_space<hbm>>
        %dma_wait3A_100 = arith.constant 0 : i32
        %dma_wait3A_101 = tpu.memref_slice %arg4[%mul3A_98, %dma_wait3A_100] : memref<640000x128xf32, #tpu.memory_space<hbm>> -> memref<256x128xf32, #tpu.memory_space<hbm>>
        tpu.wait_dma2 semaphore(%arg11 : memref<!tpu.dma_semaphore, #tpu.memory_space<semaphore_mem>>) src(%arg7 : memref<256x128xf32, #tpu.memory_space<vmem>>) dst(%dma_wait3A_101 : memref<256x128xf32, #tpu.memory_space<hbm>>)
      } else {
      }
      %sub3A_32 = arith.constant 1 : i32
      %sub3A_33 = arith.subi %scan3A_17, %sub3A_32 : i32
      %mul3A_34 = arith.constant 2 : i32
      %mul3A_35 = arith.muli %mul3A_34, %sub3A_33 : i32
      %add3A_36 = arith.constant 1 : i32
      %add3A_37 = arith.addi %mul3A_35, %add3A_36 : i32
      %mul3A_38 = arith.constant 32 : i32
      %mul3A_39 = arith.muli %mul3A_38, %add3A_37 : i32
      %add3A_40 = arith.addi %add3A, %mul3A_39 : i32
      %gt3A_41 = arith.constant 0 : i32
      %gt3A_42 = arith.cmpi sgt, %scan3A_17, %gt3A_41 : i32
      %lt3A_43 = arith.constant 2500 : i32
      %lt3A_44 = arith.cmpi slt, %add3A_40, %lt3A_43 : i32
      %and3A_45 = arith.andi %gt3A_42, %lt3A_44 : i1
      %convert_element_type3A_46 = arith.extui %and3A_45 : i1 to i32
      %cond3A_47 = arith.constant 0 : i32
      %cond3A_48 = arith.cmpi ne, %convert_element_type3A_46, %cond3A_47 : i32
      scf.if %cond3A_48 {
        %mul3A_97 = arith.constant 256 : i32
        %mul3A_98 = arith.muli %add3A_40, %mul3A_97 : i32
        %dma_wait3A = arith.constant 0 : i32
        %dma_wait3A_99 = tpu.memref_slice %arg4[%mul3A_98, %dma_wait3A] : memref<640000x128xf32, #tpu.memory_space<hbm>> -> memref<256x128xf32, #tpu.memory_space<hbm>>
        %dma_wait3A_100 = arith.constant 0 : i32
        %dma_wait3A_101 = tpu.memref_slice %arg4[%mul3A_98, %dma_wait3A_100] : memref<640000x128xf32, #tpu.memory_space<hbm>> -> memref<256x128xf32, #tpu.memory_space<hbm>>
        tpu.wait_dma2 semaphore(%arg12 : memref<!tpu.dma_semaphore, #tpu.memory_space<semaphore_mem>>) src(%arg8 : memref<256x128xf32, #tpu.memory_space<vmem>>) dst(%dma_wait3A_101 : memref<256x128xf32, #tpu.memory_space<hbm>>)
      } else {
      }
      %mul3A_49 = arith.constant 2 : i32
      %mul3A_50 = arith.muli %mul3A_49, %scan3A_17 : i32
      %add3A_51 = arith.constant 0 : i32
      %add3A_52 = arith.addi %mul3A_50, %add3A_51 : i32
      %mul3A_53 = arith.constant 32 : i32
      %mul3A_54 = arith.muli %mul3A_53, %add3A_52 : i32
      %add3A_55 = arith.addi %add3A, %mul3A_54 : i32
      %lt3A_56 = arith.constant 2500 : i32
      %lt3A_57 = arith.cmpi slt, %add3A_55, %lt3A_56 : i32
      %convert_element_type3A_58 = arith.extui %lt3A_57 : i1 to i32
      %cond3A_59 = arith.constant 0 : i32
      %cond3A_60 = arith.cmpi ne, %convert_element_type3A_58, %cond3A_59 : i32
      scf.if %cond3A_60 {
        %mul3A_97 = arith.constant 2 : i32
        %mul3A_98 = arith.muli %add3A_55, %mul3A_97 : i32
        "tpu.region"() ({
          %run_scoped3A = tpu.sem_alloc : memref<!tpu.dma_semaphore, #tpu.memory_space<semaphore_mem>>
          %dma_start3A_118 = arith.constant 0 : i32
          %dma_start3A_119 = tpu.memref_slice %arg3[%mul3A_98, %dma_start3A_118] : memref<5000x128xi32, #tpu.memory_space<hbm>> -> memref<2x128xi32, #tpu.memory_space<hbm>>
          %dma_start3A_120 = arith.constant 0 : i32
          %dma_start3A_121 = tpu.memref_slice %arg3[%mul3A_98, %dma_start3A_120] : memref<5000x128xi32, #tpu.memory_space<hbm>> -> memref<2x128xi32, #tpu.memory_space<hbm>>
          tpu.enqueue_dma source(%dma_start3A_121 : memref<2x128xi32, #tpu.memory_space<hbm>>) target(%arg5 : memref<2x128xi32, #tpu.memory_space<vmem>>) target_semaphore(%run_scoped3A : memref<!tpu.dma_semaphore, #tpu.memory_space<semaphore_mem>>)
          %dma_wait3A = arith.constant 0 : i32
          %dma_wait3A_122 = tpu.memref_slice %arg3[%mul3A_98, %dma_wait3A] : memref<5000x128xi32, #tpu.memory_space<hbm>> -> memref<2x128xi32, #tpu.memory_space<hbm>>
          %dma_wait3A_123 = arith.constant 0 : i32
          %dma_wait3A_124 = tpu.memref_slice %arg3[%mul3A_98, %dma_wait3A_123] : memref<5000x128xi32, #tpu.memory_space<hbm>> -> memref<2x128xi32, #tpu.memory_space<hbm>>
          tpu.wait_dma2 semaphore(%run_scoped3A : memref<!tpu.dma_semaphore, #tpu.memory_space<semaphore_mem>>) src(%dma_wait3A_124 : memref<2x128xi32, #tpu.memory_space<hbm>>) dst(%arg5 : memref<2x128xi32, #tpu.memory_space<vmem>>)
          tpu.yield
        }) : () -> ()
        %dma_start3A = arith.constant 0 : i32
        %dma_start3A_99 = arith.constant 0 : i32
        %dma_start3A_100 = arith.constant 0 : i32
        %dma_start3A_101 = tpu.memref_slice %arg7[%dma_start3A_99, %dma_start3A_100] : memref<256x128xf32, #tpu.memory_space<vmem>> -> memref<128x128xf32, #tpu.memory_space<vmem>>
        %dma_start3A_102 = arith.constant 0 : i32
        %dma_start3A_103 = tpu.memref_slice %arg5[%dma_start3A, %dma_start3A_102] : memref<2x128xi32, #tpu.memory_space<vmem>> -> memref<1x128xi32, #tpu.memory_space<vmem>>
        %dma_start3A_104 = tpu.memref_squeeze %dma_start3A_103 : memref<1x128xi32, #tpu.memory_space<vmem>> -> memref<128xi32, #tpu.memory_space<vmem>>
        %dma_start3A_105 = arith.constant 0 : i32
        %dma_start3A_106 = arith.constant 0 : i32
        %dma_start3A_107 = tpu.memref_slice %arg2[%dma_start3A_105, %dma_start3A_106] : memref<40000x128xf32, #tpu.memory_space<hbm>> -> memref<40000x128xf32, #tpu.memory_space<hbm>>
        tpu.enqueue_indirect_dma source(%dma_start3A_107 : memref<40000x128xf32, #tpu.memory_space<hbm>>) target(%dma_start3A_101 : memref<128x128xf32, #tpu.memory_space<vmem>>) offsets(%dma_start3A_104 : memref<128xi32, #tpu.memory_space<vmem>>) semaphore(%arg9 : memref<!tpu.dma_semaphore, #tpu.memory_space<semaphore_mem>>)
        %dma_start3A_108 = arith.constant 1 : i32
        %dma_start3A_109 = arith.constant 128 : i32
        %dma_start3A_110 = arith.constant 0 : i32
        %dma_start3A_111 = tpu.memref_slice %arg7[%dma_start3A_109, %dma_start3A_110] : memref<256x128xf32, #tpu.memory_space<vmem>> -> memref<128x128xf32, #tpu.memory_space<vmem>>
        %dma_start3A_112 = arith.constant 0 : i32
        %dma_start3A_113 = tpu.memref_slice %arg5[%dma_start3A_108, %dma_start3A_112] : memref<2x128xi32, #tpu.memory_space<vmem>> -> memref<1x128xi32, #tpu.memory_space<vmem>>
        %dma_start3A_114 = tpu.memref_squeeze %dma_start3A_113 : memref<1x128xi32, #tpu.memory_space<vmem>> -> memref<128xi32, #tpu.memory_space<vmem>>
        %dma_start3A_115 = arith.constant 0 : i32
        %dma_start3A_116 = arith.constant 0 : i32
        %dma_start3A_117 = tpu.memref_slice %arg2[%dma_start3A_115, %dma_start3A_116] : memref<40000x128xf32, #tpu.memory_space<hbm>> -> memref<40000x128xf32, #tpu.memory_space<hbm>>
        tpu.enqueue_indirect_dma source(%dma_start3A_117 : memref<40000x128xf32, #tpu.memory_space<hbm>>) target(%dma_start3A_111 : memref<128x128xf32, #tpu.memory_space<vmem>>) offsets(%dma_start3A_114 : memref<128xi32, #tpu.memory_space<vmem>>) semaphore(%arg9 : memref<!tpu.dma_semaphore, #tpu.memory_space<semaphore_mem>>)
      } else {
      }
      %mul3A_61 = arith.constant 2 : i32
      %mul3A_62 = arith.muli %mul3A_61, %scan3A_17 : i32
      %add3A_63 = arith.constant 1 : i32
      %add3A_64 = arith.addi %mul3A_62, %add3A_63 : i32
      %mul3A_65 = arith.constant 32 : i32
      %mul3A_66 = arith.muli %mul3A_65, %add3A_64 : i32
      %add3A_67 = arith.addi %add3A, %mul3A_66 : i32
      %lt3A_68 = arith.constant 2500 : i32
      %lt3A_69 = arith.cmpi slt, %add3A_67, %lt3A_68 : i32
      %convert_element_type3A_70 = arith.extui %lt3A_69 : i1 to i32
      %cond3A_71 = arith.constant 0 : i32
      %cond3A_72 = arith.cmpi ne, %convert_element_type3A_70, %cond3A_71 : i32
      scf.if %cond3A_72 {
        %mul3A_97 = arith.constant 2 : i32
        %mul3A_98 = arith.muli %add3A_67, %mul3A_97 : i32
        "tpu.region"() ({
          %run_scoped3A = tpu.sem_alloc : memref<!tpu.dma_semaphore, #tpu.memory_space<semaphore_mem>>
          %dma_start3A_118 = arith.constant 0 : i32
          %dma_start3A_119 = tpu.memref_slice %arg3[%mul3A_98, %dma_start3A_118] : memref<5000x128xi32, #tpu.memory_space<hbm>> -> memref<2x128xi32, #tpu.memory_space<hbm>>
          %dma_start3A_120 = arith.constant 0 : i32
          %dma_start3A_121 = tpu.memref_slice %arg3[%mul3A_98, %dma_start3A_120] : memref<5000x128xi32, #tpu.memory_space<hbm>> -> memref<2x128xi32, #tpu.memory_space<hbm>>
          tpu.enqueue_dma source(%dma_start3A_121 : memref<2x128xi32, #tpu.memory_space<hbm>>) target(%arg6 : memref<2x128xi32, #tpu.memory_space<vmem>>) target_semaphore(%run_scoped3A : memref<!tpu.dma_semaphore, #tpu.memory_space<semaphore_mem>>)
          %dma_wait3A = arith.constant 0 : i32
          %dma_wait3A_122 = tpu.memref_slice %arg3[%mul3A_98, %dma_wait3A] : memref<5000x128xi32, #tpu.memory_space<hbm>> -> memref<2x128xi32, #tpu.memory_space<hbm>>
          %dma_wait3A_123 = arith.constant 0 : i32
          %dma_wait3A_124 = tpu.memref_slice %arg3[%mul3A_98, %dma_wait3A_123] : memref<5000x128xi32, #tpu.memory_space<hbm>> -> memref<2x128xi32, #tpu.memory_space<hbm>>
          tpu.wait_dma2 semaphore(%run_scoped3A : memref<!tpu.dma_semaphore, #tpu.memory_space<semaphore_mem>>) src(%dma_wait3A_124 : memref<2x128xi32, #tpu.memory_space<hbm>>) dst(%arg6 : memref<2x128xi32, #tpu.memory_space<vmem>>)
          tpu.yield
        }) : () -> ()
        %dma_start3A = arith.constant 0 : i32
        %dma_start3A_99 = arith.constant 0 : i32
        %dma_start3A_100 = arith.constant 0 : i32
        %dma_start3A_101 = tpu.memref_slice %arg8[%dma_start3A_99, %dma_start3A_100] : memref<256x128xf32, #tpu.memory_space<vmem>> -> memref<128x128xf32, #tpu.memory_space<vmem>>
        %dma_start3A_102 = arith.constant 0 : i32
        %dma_start3A_103 = tpu.memref_slice %arg6[%dma_start3A, %dma_start3A_102] : memref<2x128xi32, #tpu.memory_space<vmem>> -> memref<1x128xi32, #tpu.memory_space<vmem>>
        %dma_start3A_104 = tpu.memref_squeeze %dma_start3A_103 : memref<1x128xi32, #tpu.memory_space<vmem>> -> memref<128xi32, #tpu.memory_space<vmem>>
        %dma_start3A_105 = arith.constant 0 : i32
        %dma_start3A_106 = arith.constant 0 : i32
        %dma_start3A_107 = tpu.memref_slice %arg2[%dma_start3A_105, %dma_start3A_106] : memref<40000x128xf32, #tpu.memory_space<hbm>> -> memref<40000x128xf32, #tpu.memory_space<hbm>>
        tpu.enqueue_indirect_dma source(%dma_start3A_107 : memref<40000x128xf32, #tpu.memory_space<hbm>>) target(%dma_start3A_101 : memref<128x128xf32, #tpu.memory_space<vmem>>) offsets(%dma_start3A_104 : memref<128xi32, #tpu.memory_space<vmem>>) semaphore(%arg10 : memref<!tpu.dma_semaphore, #tpu.memory_space<semaphore_mem>>)
        %dma_start3A_108 = arith.constant 1 : i32
        %dma_start3A_109 = arith.constant 128 : i32
        %dma_start3A_110 = arith.constant 0 : i32
        %dma_start3A_111 = tpu.memref_slice %arg8[%dma_start3A_109, %dma_start3A_110] : memref<256x128xf32, #tpu.memory_space<vmem>> -> memref<128x128xf32, #tpu.memory_space<vmem>>
        %dma_start3A_112 = arith.constant 0 : i32
        %dma_start3A_113 = tpu.memref_slice %arg6[%dma_start3A_108, %dma_start3A_112] : memref<2x128xi32, #tpu.memory_space<vmem>> -> memref<1x128xi32, #tpu.memory_space<vmem>>
        %dma_start3A_114 = tpu.memref_squeeze %dma_start3A_113 : memref<1x128xi32, #tpu.memory_space<vmem>> -> memref<128xi32, #tpu.memory_space<vmem>>
        %dma_start3A_115 = arith.constant 0 : i32
        %dma_start3A_116 = arith.constant 0 : i32
        %dma_start3A_117 = tpu.memref_slice %arg2[%dma_start3A_115, %dma_start3A_116] : memref<40000x128xf32, #tpu.memory_space<hbm>> -> memref<40000x128xf32, #tpu.memory_space<hbm>>
        tpu.enqueue_indirect_dma source(%dma_start3A_117 : memref<40000x128xf32, #tpu.memory_space<hbm>>) target(%dma_start3A_111 : memref<128x128xf32, #tpu.memory_space<vmem>>) offsets(%dma_start3A_114 : memref<128xi32, #tpu.memory_space<vmem>>) semaphore(%arg10 : memref<!tpu.dma_semaphore, #tpu.memory_space<semaphore_mem>>)
      } else {
      }
      %mul3A_73 = arith.constant 2 : i32
      %mul3A_74 = arith.muli %mul3A_73, %scan3A_17 : i32
      %add3A_75 = arith.constant 0 : i32
      %add3A_76 = arith.addi %mul3A_74, %add3A_75 : i32
      %mul3A_77 = arith.constant 32 : i32
      %mul3A_78 = arith.muli %mul3A_77, %add3A_76 : i32
      %add3A_79 = arith.addi %add3A, %mul3A_78 : i32
      %lt3A_80 = arith.constant 2500 : i32
      %lt3A_81 = arith.cmpi slt, %add3A_79, %lt3A_80 : i32
      %convert_element_type3A_82 = arith.extui %lt3A_81 : i1 to i32
      %cond3A_83 = arith.constant 0 : i32
      %cond3A_84 = arith.cmpi ne, %convert_element_type3A_82, %cond3A_83 : i32
      scf.if %cond3A_84 {
        %dma_wait3A = arith.constant 0 : i32
        %dma_wait3A_97 = arith.constant 0 : i32
        %dma_wait3A_98 = arith.constant 0 : i32
        %dma_wait3A_99 = tpu.memref_slice %arg7[%dma_wait3A_97, %dma_wait3A_98] : memref<256x128xf32, #tpu.memory_space<vmem>> -> memref<128x128xf32, #tpu.memory_space<vmem>>
        %dma_wait3A_100 = arith.constant 0 : i32
        %dma_wait3A_101 = tpu.memref_slice %arg5[%dma_wait3A, %dma_wait3A_100] : memref<2x128xi32, #tpu.memory_space<vmem>> -> memref<1x128xi32, #tpu.memory_space<vmem>>
        %dma_wait3A_102 = tpu.memref_squeeze %dma_wait3A_101 : memref<1x128xi32, #tpu.memory_space<vmem>> -> memref<128xi32, #tpu.memory_space<vmem>>
        %dma_wait3A_103 = arith.constant 0 : i32
        %dma_wait3A_104 = arith.constant 0 : i32
        %dma_wait3A_105 = tpu.memref_slice %arg2[%dma_wait3A_103, %dma_wait3A_104] : memref<40000x128xf32, #tpu.memory_space<hbm>> -> memref<40000x128xf32, #tpu.memory_space<hbm>>
        tpu.wait_indirect_dma semaphore(%arg9 : memref<!tpu.dma_semaphore, #tpu.memory_space<semaphore_mem>>) src(%dma_wait3A_105 : memref<40000x128xf32, #tpu.memory_space<hbm>>) dst(%dma_wait3A_99 : memref<128x128xf32, #tpu.memory_space<vmem>>)
        %dma_wait3A_106 = arith.constant 1 : i32
        %dma_wait3A_107 = arith.constant 128 : i32
        %dma_wait3A_108 = arith.constant 0 : i32
        %dma_wait3A_109 = tpu.memref_slice %arg7[%dma_wait3A_107, %dma_wait3A_108] : memref<256x128xf32, #tpu.memory_space<vmem>> -> memref<128x128xf32, #tpu.memory_space<vmem>>
        %dma_wait3A_110 = arith.constant 0 : i32
        %dma_wait3A_111 = tpu.memref_slice %arg5[%dma_wait3A_106, %dma_wait3A_110] : memref<2x128xi32, #tpu.memory_space<vmem>> -> memref<1x128xi32, #tpu.memory_space<vmem>>
        %dma_wait3A_112 = tpu.memref_squeeze %dma_wait3A_111 : memref<1x128xi32, #tpu.memory_space<vmem>> -> memref<128xi32, #tpu.memory_space<vmem>>
        %dma_wait3A_113 = arith.constant 0 : i32
        %dma_wait3A_114 = arith.constant 0 : i32
        %dma_wait3A_115 = tpu.memref_slice %arg2[%dma_wait3A_113, %dma_wait3A_114] : memref<40000x128xf32, #tpu.memory_space<hbm>> -> memref<40000x128xf32, #tpu.memory_space<hbm>>
        tpu.wait_indirect_dma semaphore(%arg9 : memref<!tpu.dma_semaphore, #tpu.memory_space<semaphore_mem>>) src(%dma_wait3A_115 : memref<40000x128xf32, #tpu.memory_space<hbm>>) dst(%dma_wait3A_109 : memref<128x128xf32, #tpu.memory_space<vmem>>)
        %mul3A_116 = arith.constant 256 : i32
        %mul3A_117 = arith.muli %add3A_79, %mul3A_116 : i32
        %dma_start3A = arith.constant 0 : i32
        %dma_start3A_118 = tpu.memref_slice %arg4[%mul3A_117, %dma_start3A] : memref<640000x128xf32, #tpu.memory_space<hbm>> -> memref<256x128xf32, #tpu.memory_space<hbm>>
        %dma_start3A_119 = arith.constant 0 : i32
        %dma_start3A_120 = tpu.memref_slice %arg4[%mul3A_117, %dma_start3A_119] : memref<640000x128xf32, #tpu.memory_space<hbm>> -> memref<256x128xf32, #tpu.memory_space<hbm>>
        tpu.enqueue_dma source(%arg7 : memref<256x128xf32, #tpu.memory_space<vmem>>) target(%dma_start3A_120 : memref<256x128xf32, #tpu.memory_space<hbm>>) target_semaphore(%arg11 : memref<!tpu.dma_semaphore, #tpu.memory_space<semaphore_mem>>)
      } else {
      }
      %mul3A_85 = arith.constant 2 : i32
      %mul3A_86 = arith.muli %mul3A_85, %scan3A_17 : i32
      %add3A_87 = arith.constant 1 : i32
      %add3A_88 = arith.addi %mul3A_86, %add3A_87 : i32
      %mul3A_89 = arith.constant 32 : i32
      %mul3A_90 = arith.muli %mul3A_89, %add3A_88 : i32
      %add3A_91 = arith.addi %add3A, %mul3A_90 : i32
      %lt3A_92 = arith.constant 2500 : i32
      %lt3A_93 = arith.cmpi slt, %add3A_91, %lt3A_92 : i32
      %convert_element_type3A_94 = arith.extui %lt3A_93 : i1 to i32
      %cond3A_95 = arith.constant 0 : i32
      %cond3A_96 = arith.cmpi ne, %convert_element_type3A_94, %cond3A_95 : i32
      scf.if %cond3A_96 {
        %dma_wait3A = arith.constant 0 : i32
        %dma_wait3A_97 = arith.constant 0 : i32
        %dma_wait3A_98 = arith.constant 0 : i32
        %dma_wait3A_99 = tpu.memref_slice %arg8[%dma_wait3A_97, %dma_wait3A_98] : memref<256x128xf32, #tpu.memory_space<vmem>> -> memref<128x128xf32, #tpu.memory_space<vmem>>
        %dma_wait3A_100 = arith.constant 0 : i32
        %dma_wait3A_101 = tpu.memref_slice %arg6[%dma_wait3A, %dma_wait3A_100] : memref<2x128xi32, #tpu.memory_space<vmem>> -> memref<1x128xi32, #tpu.memory_space<vmem>>
        %dma_wait3A_102 = tpu.memref_squeeze %dma_wait3A_101 : memref<1x128xi32, #tpu.memory_space<vmem>> -> memref<128xi32, #tpu.memory_space<vmem>>
        %dma_wait3A_103 = arith.constant 0 : i32
        %dma_wait3A_104 = arith.constant 0 : i32
        %dma_wait3A_105 = tpu.memref_slice %arg2[%dma_wait3A_103, %dma_wait3A_104] : memref<40000x128xf32, #tpu.memory_space<hbm>> -> memref<40000x128xf32, #tpu.memory_space<hbm>>
        tpu.wait_indirect_dma semaphore(%arg10 : memref<!tpu.dma_semaphore, #tpu.memory_space<semaphore_mem>>) src(%dma_wait3A_105 : memref<40000x128xf32, #tpu.memory_space<hbm>>) dst(%dma_wait3A_99 : memref<128x128xf32, #tpu.memory_space<vmem>>)
        %dma_wait3A_106 = arith.constant 1 : i32
        %dma_wait3A_107 = arith.constant 128 : i32
        %dma_wait3A_108 = arith.constant 0 : i32
        %dma_wait3A_109 = tpu.memref_slice %arg8[%dma_wait3A_107, %dma_wait3A_108] : memref<256x128xf32, #tpu.memory_space<vmem>> -> memref<128x128xf32, #tpu.memory_space<vmem>>
        %dma_wait3A_110 = arith.constant 0 : i32
        %dma_wait3A_111 = tpu.memref_slice %arg6[%dma_wait3A_106, %dma_wait3A_110] : memref<2x128xi32, #tpu.memory_space<vmem>> -> memref<1x128xi32, #tpu.memory_space<vmem>>
        %dma_wait3A_112 = tpu.memref_squeeze %dma_wait3A_111 : memref<1x128xi32, #tpu.memory_space<vmem>> -> memref<128xi32, #tpu.memory_space<vmem>>
        %dma_wait3A_113 = arith.constant 0 : i32
        %dma_wait3A_114 = arith.constant 0 : i32
        %dma_wait3A_115 = tpu.memref_slice %arg2[%dma_wait3A_113, %dma_wait3A_114] : memref<40000x128xf32, #tpu.memory_space<hbm>> -> memref<40000x128xf32, #tpu.memory_space<hbm>>
        tpu.wait_indirect_dma semaphore(%arg10 : memref<!tpu.dma_semaphore, #tpu.memory_space<semaphore_mem>>) src(%dma_wait3A_115 : memref<40000x128xf32, #tpu.memory_space<hbm>>) dst(%dma_wait3A_109 : memref<128x128xf32, #tpu.memory_space<vmem>>)
        %mul3A_116 = arith.constant 256 : i32
        %mul3A_117 = arith.muli %add3A_91, %mul3A_116 : i32
        %dma_start3A = arith.constant 0 : i32
        %dma_start3A_118 = tpu.memref_slice %arg4[%mul3A_117, %dma_start3A] : memref<640000x128xf32, #tpu.memory_space<hbm>> -> memref<256x128xf32, #tpu.memory_space<hbm>>
        %dma_start3A_119 = arith.constant 0 : i32
        %dma_start3A_120 = tpu.memref_slice %arg4[%mul3A_117, %dma_start3A_119] : memref<640000x128xf32, #tpu.memory_space<hbm>> -> memref<256x128xf32, #tpu.memory_space<hbm>>
        tpu.enqueue_dma source(%arg8 : memref<256x128xf32, #tpu.memory_space<vmem>>) target(%dma_start3A_120 : memref<256x128xf32, #tpu.memory_space<hbm>>) target_semaphore(%arg12 : memref<!tpu.dma_semaphore, #tpu.memory_space<semaphore_mem>>)
      } else {
      }
    }
    %scan3A_5 = arith.constant 40 : i32
    %add3A_6 = arith.constant 2496 : i32
    %add3A_7 = arith.addi %add3A, %add3A_6 : i32
    %lt3A = arith.constant 2500 : i32
    %lt3A_8 = arith.cmpi slt, %add3A_7, %lt3A : i32
    %convert_element_type3A = arith.extui %lt3A_8 : i1 to i32
    %cond3A = arith.constant 0 : i32
    %cond3A_9 = arith.cmpi ne, %convert_element_type3A, %cond3A : i32
    scf.if %cond3A_9 {
      %mul3A_17 = arith.constant 256 : i32
      %mul3A_18 = arith.muli %add3A_7, %mul3A_17 : i32
      %dma_wait3A = arith.constant 0 : i32
      %dma_wait3A_19 = tpu.memref_slice %arg4[%mul3A_18, %dma_wait3A] : memref<640000x128xf32, #tpu.memory_space<hbm>> -> memref<256x128xf32, #tpu.memory_space<hbm>>
      %dma_wait3A_20 = arith.constant 0 : i32
      %dma_wait3A_21 = tpu.memref_slice %arg4[%mul3A_18, %dma_wait3A_20] : memref<640000x128xf32, #tpu.memory_space<hbm>> -> memref<256x128xf32, #tpu.memory_space<hbm>>
      tpu.wait_dma2 semaphore(%arg11 : memref<!tpu.dma_semaphore, #tpu.memory_space<semaphore_mem>>) src(%arg7 : memref<256x128xf32, #tpu.memory_space<vmem>>) dst(%dma_wait3A_21 : memref<256x128xf32, #tpu.memory_space<hbm>>)
    } else {
    }
    %add3A_10 = arith.constant 2528 : i32
    %add3A_11 = arith.addi %add3A, %add3A_10 : i32
    %lt3A_12 = arith.constant 2500 : i32
    %lt3A_13 = arith.cmpi slt, %add3A_11, %lt3A_12 : i32
    %convert_element_type3A_14 = arith.extui %lt3A_13 : i1 to i32
    %cond3A_15 = arith.constant 0 : i32
    %cond3A_16 = arith.cmpi ne, %convert_element_type3A_14, %cond3A_15 : i32
    scf.if %cond3A_16 {
      %mul3A_17 = arith.constant 256 : i32
      %mul3A_18 = arith.muli %add3A_11, %mul3A_17 : i32
      %dma_wait3A = arith.constant 0 : i32
      %dma_wait3A_19 = tpu.memref_slice %arg4[%mul3A_18, %dma_wait3A] : memref<640000x128xf32, #tpu.memory_space<hbm>> -> memref<256x128xf32, #tpu.memory_space<hbm>>
      %dma_wait3A_20 = arith.constant 0 : i32
      %dma_wait3A_21 = tpu.memref_slice %arg4[%mul3A_18, %dma_wait3A_20] : memref<640000x128xf32, #tpu.memory_space<hbm>> -> memref<256x128xf32, #tpu.memory_space<hbm>>
      tpu.wait_dma2 semaphore(%arg12 : memref<!tpu.dma_semaphore, #tpu.memory_space<semaphore_mem>>) src(%arg8 : memref<256x128xf32, #tpu.memory_space<vmem>>) dst(%dma_wait3A_21 : memref<256x128xf32, #tpu.memory_space<hbm>>)
    } else {
    }
    return
  }
}

module attributes {stable_mosaic.version = 14 : i64} {
  func.func @_concat_body(%arg0: i32, %arg1: i32, %arg2: memref<1x8000x64xf32, #tpu.memory_space<vmem>>, %arg3: memref<1x8000x128xf32, #tpu.memory_space<vmem>>, %arg4: memref<1x8000x128xf32, #tpu.memory_space<vmem>>) attributes {dimension_semantics = [#tpu.dimension_semantics<arbitrary>, #tpu.dimension_semantics<arbitrary>], iteration_bounds = array<i64: 4, 20>, scalar_prefetch = 0 : i64, scratch_operands = 0 : i64, tpu.core_type = #tpu.core_type<tc>, window_params = [{transform_indices = @transform_0, window_bounds = array<i64: 1, 8000, 64>}, {transform_indices = @transform_1, window_bounds = array<i64: 1, 8000, 128>}, {transform_indices = @transform_2, window_bounds = array<i64: 1, 8000, 128>}]} {
    %get3A = arith.constant 0 : index
    %get3A_0 = arith.constant 0 : index
    %get3A_1 = arith.constant 0 : index
    %get3A_2 = vector.load %arg2[%get3A, %get3A_0, %get3A_1] : memref<1x8000x64xf32, #tpu.memory_space<vmem>>, vector<1x8000x64xf32>
    %get3A_3 = vector.shape_cast %get3A_2 : vector<1x8000x64xf32> to vector<8000x64xf32>
    %get3A_4 = arith.constant 0 : index
    %get3A_5 = arith.constant 0 : index
    %get3A_6 = arith.constant 0 : index
    %get3A_7 = vector.load %arg3[%get3A_4, %get3A_5, %get3A_6] : memref<1x8000x128xf32, #tpu.memory_space<vmem>>, vector<1x8000x128xf32>
    %get3A_8 = vector.shape_cast %get3A_7 : vector<1x8000x128xf32> to vector<8000x128xf32>
    %slice3A = vector.extract_strided_slice %get3A_8 {offsets = [0, 0], sizes = [8000, 64], strides = [1, 1]} : vector<8000x128xf32> to vector<8000x64xf32>
    %concatenate3A = tpu.concatenate %get3A_3, %slice3A in 1 : vector<8000x64xf32>, vector<8000x64xf32> -> vector<8000x128xf32>
    %swap3A = arith.constant 0 : index
    %swap3A_9 = arith.constant 0 : index
    %swap3A_10 = arith.constant 0 : index
    %swap3A_11 = vector.load %arg4[%swap3A, %swap3A_9, %swap3A_10] : memref<1x8000x128xf32, #tpu.memory_space<vmem>>, vector<1x8000x128xf32>
    %swap3A_12 = vector.shape_cast %swap3A_11 : vector<1x8000x128xf32> to vector<8000x128xf32>
    %swap3A_13 = vector.shape_cast %concatenate3A : vector<8000x128xf32> to vector<1x8000x128xf32>
    tpu.vector_store %arg4[%swap3A, %swap3A_9, %swap3A_10], %swap3A_13 {strides = array<i32>} : memref<1x8000x128xf32, #tpu.memory_space<vmem>>, vector<1x8000x128xf32>,
    return
  }
  func.func @transform_0(%arg0: i32, %arg1: i32) -> (i32, i32, i32) {
    %c0_i32 = arith.constant 0 : i32
    %c0_i32_0 = arith.constant 0 : i32
    return %arg0, %arg1, %c0_i32 : i32, i32, i32
  }
  func.func @transform_1(%arg0: i32, %arg1: i32) -> (i32, i32, i32) {
    %c0_i32 = arith.constant 0 : i32
    %c0_i32_0 = arith.constant 0 : i32
    return %arg0, %arg1, %c0_i32 : i32, i32, i32
  }
  func.func @transform_2(%arg0: i32, %arg1: i32) -> (i32, i32, i32) {
    %c0_i32 = arith.constant 0 : i32
    %c0_i32_0 = arith.constant 0 : i32
    return %arg0, %arg1, %c0_i32 : i32, i32, i32
  }
}

</mosaic_0001>

<sc_bundles>
// kernel: kernel.4.cloned.1.call-start
scs
__scs_entry_jumppad:
0x0: {  	(pc) =	sbr.rel $0x88, $3  }
0x1: {  	(tag) =	ssettag $0x0;
	lr =	simm.s32 $0x1  }
0x2: {  	[smem:$0x3F9E] =	sst lr;
	_ =	strace $0xD0000000  }
0x3: {  	_ = 	snop  }
0x4: {  	_ = 	snop  }
0x5: {  	_ = 	snop  }
0x6: {  	_ = 	snop  }
0x7: {  	_ = 	snop  }
__scs_overlays_trampoline_lowered:
0x8: {  	[smem:$0x3FAD] =	sst s0  }
0x9: {  	[smem:$0x3FAE] =	sst s1  }
0xa: {  	[smem:$0x3FAF] =	sst s2  }
0xb: {  	[smem:$0x3FB0] =	sst s3  }
0xc: {  	[smem:$0x3FB1] =	sst s4  }
0xd: {  	[smem:$0x3FB2] =	sst s5  }
0xe: {  	[smem:$0x3FB3] =	sst s6  }
0xf: {  	[smem:$0x3FB4] =	sst s7  }
0x10: {  	[smem:$0x3FB5] =	sst s8  }
0x11: {  	[smem:$0x3FB6] =	sst s9;
	s0 =	simm.s32 @!p0 $0x0  }
0x12: {  	s1 =	sld [smem:$0x3F9C];
	s0 =	simm.s32 @p0 $0x1  }
0x13: {  	[smem:$0x3FB7] =	sst s0;
	s0 =	simm.s32 @!p1 $0x0  }
0x14: {  	s2 =	sld [smem:$0x3F9B];
	s0 =	simm.s32 @p1 $0x1  }
0x15: {  	[smem:$0x3FB8] =	sst s0;
	s0 =	simm.s32 @!p2 $0x0  }
0x16: {  	s3 =	sld [smem:$0x3FDB];
	s0 =	simm.s32 @p2 $0x1  }
0x17: {  	s4 =	simm.s32 $0x1BF5;
	[smem:$0x3FBA] =	sst s0  }
0x18: {  	s0 =	sld [smem:$0x3F9D];
	_ =	swait.ge [sflag:s4], $0x0  }
0x19: {  	s7 =	sld [smem:$0x3F9E]  }
0x1a: {  	s8 =	sadd.s32 $0xFFFFE003, lr  }
0x1b: {  	s9 =	sadd.s32 $0xFFFFFEF7, lr;
	s5 =	simm.s32 $0xFFFFFFFF;
	p2 =	slt.u32 s8, $0xFFFFF086  }
0x1c: {  	p1 =	slt.u32 s9, $0xF7A;
	s5 =	simm.s32 @!p2 $0x0  }
0x1d: {  	s5 =	simm.s32 @p1 $0x1;
	p0 =	seq.s32 s7, s2  }
0x1e: {  	s7 =	smul.u32 @!p0 $0xF7A, s2;
	p2 =	seq.s32 @!p0 s5, $0x0  }
0x1f: {  	s9 =	smul.u32 $0xF7A, s1;
	s8 =	simm.s32 @!p0 $0x1BF5;
	p2 =	por !p2, p0  }
0x20: {  	[sflag:s8] =	ssyncset.s32 @!p0 $0xFFFFF086;
	s6 =	sadd.s32 @!p0 s3, s7;
	s7 =	simm.s32 @!p0 $0x108  }
0x21: {  	s3 =	sadd.s32 s3, s9;
	s6 =	sadd.s32 @!p0 $0x88, s6;
	s7 =	simm.s32 @p2 $0x1082  }
0x22: {  	[simem:s7], [sflag:s8] =	dma.local @!p0 [hbm:s6], $0xF7A  }
0x23: {  	s9 =	sor.u32 $0xD0000000, s2;
	s6 =	simm.s32 $0x108;
	_ =	swait.ge @!p0 [sflag:s8], $0x0  }
0x24: {  	s3 =	sadd.s32 $0x88, s3;
	s6 =	simm.s32 @!p1 $0x1082;
	[sflag:s4] =	ssyncset.s32 $0xFFFFF086  }
0x25: {  	[simem:s6], [sflag:s4] =	dma.local [hbm:s3], $0xF7A  }
0x26: {  	[smem:$0x3F9E] =	sst s1;
	(tag) =	ssettag s2;
	_ =	strace s9  }
0x27: {  	s1 =	sld [smem:$0x3FAE]  }
0x28: {  	s2 =	sld [smem:$0x3FAF]  }
0x29: {  	s4 =	sld [smem:$0x3FB1]  }
0x2a: {  	p0 =	seq.s32 s5, $0x0;
	s5 =	sld [smem:$0x3FB2]  }
0x2b: {  	s6 =	sld [smem:$0x3FB3]  }
0x2c: {  	s7 =	sld [smem:$0x3FB4]  }
0x2d: {  	s3 =	simm.s32 $0x108;
	s8 =	sld [smem:$0x3FB5]  }
0x2e: {  	s3 =	simm.s32 @!p0 $0x1082;
	s9 =	sld [smem:$0x3FB6]  }
0x2f: {  	lr =	sadd.s32 s0, s3;
	s0 =	sld [smem:$0x3FAD]  }
0x30: {  	s3 =	sld [smem:$0x3FB0]  }
0x31: {  	[smem:$0x3FB9] =	sst s10  }
0x32: {  	s10 =	sld [smem:$0x3FB7];
	_ =	sdelay $0x3  }
0x33: {  	p0 =	seq.s32 s10, $0x1;
	s10 =	sld [smem:$0x3FB9];
	_ =	sdelay $0x3  }
0x34: {  	[smem:$0x3FB9] =	sst s10  }
0x35: {  	s10 =	sld [smem:$0x3FB8];
	_ =	sdelay $0x3  }
0x36: {  	p1 =	seq.s32 s10, $0x1;
	s10 =	sld [smem:$0x3FB9];
	_ =	sdelay $0x3  }
0x37: {  	[smem:$0x3FB9] =	sst s10  }
0x38: {  	s10 =	sld [smem:$0x3FBA]  }
0x39: {  	_ = 	snop;
	(pc) =	sbr.ind lr, $3  }
0x3a: {  	_ = 	snop  }
0x3b: {  	_ = 	snop  }
0x3c: {  	p2 =	seq.s32 s10, $0x1;
	s10 =	sld [smem:$0x3FB9]  }
0x3d: {  	_ =	shalt  }
0x3e: {  	_ =	shalt  }
0x3f: {  	_ =	shalt  }
0x40: {  	_ =	shalt  }
0x41: {  	_ =	shalt  }
0x42: {  	_ =	shalt  }
0x43: {  	_ =	shalt  }
0x44: {  	_ =	shalt  }
0x45: {  	_ =	shalt  }
0x46: {  	_ =	shalt  }
0x47: {  	_ =	shalt  }
0x48: {  	_ =	shalt  }
0x49: {  	_ =	shalt  }
0x4a: {  	_ =	shalt  }
0x4b: {  	_ =	shalt  }
0x4c: {  	_ =	shalt  }
0x4d: {  	_ =	shalt  }
0x4e: {  	_ =	shalt  }
0x4f: {  	_ =	shalt  }
0x50: {  	_ =	shalt  }
0x51: {  	_ =	shalt  }
0x52: {  	_ =	shalt  }
0x53: {  	_ =	shalt  }
0x54: {  	_ =	shalt  }
0x55: {  	_ =	shalt  }
0x56: {  	_ =	shalt  }
0x57: {  	_ =	shalt  }
0x58: {  	_ =	shalt  }
0x59: {  	_ =	shalt  }
0x5a: {  	_ =	shalt  }
0x5b: {  	_ =	shalt  }
0x5c: {  	_ =	shalt  }
0x5d: {  	_ =	shalt  }
0x5e: {  	_ =	shalt  }
0x5f: {  	_ =	shalt  }
0x60: {  	_ =	shalt  }
0x61: {  	_ =	shalt  }
0x62: {  	_ =	shalt  }
0x63: {  	_ =	shalt  }
0x64: {  	_ =	shalt  }
0x65: {  	_ =	shalt  }
0x66: {  	_ =	shalt  }
0x67: {  	_ =	shalt  }
0x68: {  	_ =	shalt  }
0x69: {  	_ =	shalt  }
0x6a: {  	_ =	shalt  }
0x6b: {  	_ =	shalt  }
0x6c: {  	_ =	shalt  }
0x6d: {  	_ =	shalt  }
0x6e: {  	_ =	shalt  }
0x6f: {  	_ =	shalt  }
0x70: {  	_ =	shalt  }
0x71: {  	_ =	shalt  }
0x72: {  	_ =	shalt  }
0x73: {  	_ =	shalt  }
0x74: {  	_ =	shalt  }
0x75: {  	_ =	shalt  }
0x76: {  	_ =	shalt  }
0x77: {  	_ =	shalt  }
0x78: {  	_ =	shalt  }
0x79: {  	_ =	shalt  }
0x7a: {  	_ =	shalt  }
0x7b: {  	_ =	shalt  }
0x7c: {  	_ =	shalt  }
0x7d: {  	_ =	shalt  }
0x7e: {  	_ =	shalt  }
0x7f: {  	_ =	shalt  }
0x80: {  	_ =	shalt  }
0x81: {  	_ =	shalt  }
0x82: {  	_ =	shalt  }
0x83: {  	_ =	shalt  }
0x84: {  	_ =	shalt  }
0x85: {  	_ =	shalt  }
0x86: {  	_ =	shalt  }
0x87: {  	_ =	shalt  }
.Lfunc_end0:
.L_simem_size_0:
called_computation.1_lowered:
.L_overlay_start_0:
0x88: {  	s2 =	sld [smem:$0x3FD9]  }
0x89: {  	s3 =	sld [smem:$0x3FFE];
	_ =	sdelay $0x1  }
0x8a: {  	s1 =	srdreg.scid  }
0x8b: {  	s0 =	sand.u32 $0x1, s1  }
0x8c: {  	s17 =	sshll.u32 s0, $0xA;
	s2 =	sadd.s32 s3, s2  }
0x8d: {  	s2 =	sadd.s32 s2, s17  }
0x8e: {  	[smem:$0x3FC5] =	sst s2  }
0x8f: {  	_ = 	snop  }
0x90: {  	s18 =	sld [smem:$0x3FD0];
	(tm) =	ssettm $0x1  }
0x91: {  	s19 =	sld [smem:$0x3FFB];
	_ =	sdelay $0x3  }
0x92: {  	_ =	strace s19  }
0x93: {  	s2 =	sld [smem:$0x3FFC];
	_ =	sdelay $0x3  }
0x94: {  	_ =	strace s2  }
0x95: {  	s2 =	sld [smem:$0x3FFD];
	_ =	sdelay $0x3  }
0x96: {  	_ =	strace s2  }
0x97: {  	_ =	strace $0x8FFFFFFF  }
0x98: {  	s20 =	sld [smem:$0x3FDB];
	_ =	sdelay $0x1  }
0x99: {  	s4 =	simm.s32 $_scs_section_size  }
0x9a: {  	s5 =	simm.s32 $_size__tile_overlayer_lowered;
	s6 =	simm.s32 $_tile_overlayer_lowered  }
0x9b: {  	s7 =	simm.s32 $0x1BFF;
	s21 =	sshll.u32 s6, $0x1;
	s4 =	sadd.s32 s4, s20  }
0x9c: {  	s22 =	simm.s32 $0x0;
	s5 =	sshll.u32 s5, $0x1;
	s6 =	sadd.s32 s21, s4  }
0x9d: {  	[timem:s22], [sflag:s7] =	dma.local [hbm:s6], s5  }
0x9e: {  	_ =	swait.ge [sflag:s7], s5  }
0x9f: {  	s5 =	ssub.s32 $0x0, s5;
	[sflag:s7] =	ssyncset.done $0x0  }
0xa0: {  	[sflag:s7] =	ssyncadd.s32 s5;
	_ =	sdelay $0x1  }
0xa1: {  	s23 =	simm.s32 $0x1B8B  }
0xa2: {  	_ =	swait.ge [sflag:s23], $0x1  }
0xa3: {  	[sflag:s23] =	ssyncset.done $0x0  }
0xa4: {  	[sflag:s23] =	ssyncadd.s32 $0xFFFFFFFF  }
0xa5: {  	s5 =	sld [smem:$0x0]  }
0xa6: {  	s6 =	sand.u32 $0xFFFFFFFE, s1  }
0xa7: {  	p0 =	sne.s32 s1, s6  }
0xa8: {  	s6 =	sshll.u32 @p0 s6, $0xE  }
0xa9: {  	s6 =	sadd.s32 @p0 $0x11B8D, s6;
	s7 =	sshll.u32 @p0 s5, $0x11  }
0xaa: {  	s6 =	sor.u32 @p0 s7, s6  }
0xab: {  	[sflag:s6] =	ssyncadd.remote.s32 @p0 $0x1;
	_ =	sdelay $0x1  }
0xac: {  	s6 =	simm.s32 @p0 $0x1B8D  }
0xad: {  	_ =	swait.eq @p0 [sflag:s6], $0x1  }
0xae: {  	[sflag:s6] =	ssyncadd.s32 @p0 $0xFFFFFFFF  }
0xaf: {  	s7 =	sshll.u32 @!p0 s1, $0xE  }
0xb0: {  	s7 =	sor.u32 @!p0 $0x4000, s7;
	s6 =	simm.s32 @!p0 $0x1B8D  }
0xb1: {  	s5 =	sshll.u32 @!p0 s5, $0x11;
	s7 =	sadd.s32 @!p0 $0x11B8D, s7;
	_ =	swait.eq @!p0 [sflag:s6], $0x1  }
0xb2: {  	s5 =	sor.u32 @!p0 s5, s7;
	[sflag:s6] =	ssyncadd.s32 @!p0 $0xFFFFFFFF  }
0xb3: {  	s25 =	simm.s32 $0x1B8E;
	s24 =	sld [smem:$0x3FFE];
	[sflag:s5] =	ssyncadd.remote.s32 @!p0 $0x1  }
0xb4: {  	s26 =	simm.s32 $execute0_lowered;
	[smem:$0x3FD2] =	sst s25  }
0xb5: {  	s6 =	sshll.u32 s26, $0x1;
	_ =	strace $0x80000049;
	[dreg:$0x1] =	wrdreg $0xFFFFFFFF  }
0xb6: {  	s28 =	simm.s32 $_size_execute0_lowered;
	s4 =	sadd.s32 s4, s6;
	[dreg:$0x0] =	wrdreg $0x0  }
0xb7: {  	s6 =	sshll.u32 s28, $0x1;
	[dreg:$0x2] =	wrdreg s4  }
0xb8: {  	[dreg:$0x3] =	wrdreg s6  }
0xb9: {  	[dreg:$0x4] =	wrdreg $0xC0  }
0xba: {  	_ =	task [dreg:s22], $0x5FFFF  }
0xbb: {  	[dreg:$0x1] =	wrdreg $0xFFFFFFFF  }
0xbc: {  	[dreg:$0x0] =	wrdreg $0x60  }
0xbd: {  	[dreg:$0x2] =	wrdreg s18  }
0xbe: {  	[dreg:$0x3] =	wrdreg s24  }
0xbf: {  	[dreg:$0x4] =	wrdreg $0xA  }
0xc0: {  	_ =	task.clear_ibuf [dreg:s22], $0x5FFFF;
	_ =	strace $0x90000049  }
0xc1: {  	s29 =	simm.s32 $0xA;
	_ =	strace $0x8000004B  }
0xc2: {  	_ =	swait.ge [sflag:s29], $0x1  }
0xc3: {  	[sflag:s29] =	ssyncadd.s32 $0xFFFFFFFF  }
0xc4: {  	_ =	strace $0x9000004B  }
0xc5: {  	_ =	sfence  }
0xc6: {  	s30 =	sld [smem:$0x0];
	_ =	sdelay $0x2  }
0xc7: {  	s31 =	sshll.u32 s1, $0xD;
	s1 =	sshrl.u32 s1, $0x2  }
0xc8: {  	s4 =	sand.u32 $0x4000, s31;
	s1 =	sadd.s32 s1, s30  }
0xc9: {  	s0 =	sor.u32 s4, s0;
	s1 =	sshll.u32 s1, $0x11  }
0xca: {  	s0 =	sor.u32 s1, s0  }
0xcb: {  	s0 =	sadd.s32 $0x8F2B, s0  }
0xcc: {  	[sflag:s0] =	ssyncadd.remote.s32 $0x1  }
0xcd: {  	_ =	sfence.sel $0xFFFF  }
0xce: {  	[dreg:$0x0] =	wrdreg $0xFFFFFFFF;
	(pc) =	sbr.abs _section_cstart, $3  }
0xcf: {  	[dreg:$0x1] =	wrdreg $0xFFFFFFFF  }
0xd0: {  	_ =	task.clear_ibuf [dreg:s22], $0x2FFFF;
	_ =	strace $0x9FFFFFFF  }
0xd1: {  	(tm) =	ssettm $0x7FFFFFFF  }
tec
execute0_lowered:
.L_overlay_start_1:
0x0: {  	(tag) =	ssettag $0x1  }
0x1: {  	s1 =	rddreg [dreg:$0x0]  }
0x2: {  	s0 =	rddreg [dreg:$0x1];
	s3 =	simm.s32 $0x0;
	s2 =	srdreg.scid  }
0x3: {  	s16 =	stileid.u32;
	s15 =	simm.s32 $0x200;
	s17 =	simm.s32 $0x100  }
0x4: {  	s18 =	simm.s32 $0x8200;
	s21 =	simm.s32 $0x1;
	s22 =	simm.s32 $0x2  }
0x5: {  	s23 =	simm.s32 $0x3;
	s24 =	simm.s32 $0x4;
	s25 =	simm.s32 $0x0  }
0x6: {  	[smem:$0x7FF] =	sst s3;
	s2 =	sand.u32 $0x1, s2;
	s9 =	sadd.s32 $0x9C5600, s0  }
0x7: {  	s4 =	sshll.u32 s16, $0x1;
	s0 =	sadd.s32 $0x9D9000, s0;
	s11 =	sshll.u32 s16, $0xD  }
0x8: {  	s13 =	sshll.u32 s16, $0x6;
	p0 =	sgt.u32 s16, $0x1;
	_ =	strace $0x8000004A  }
0x9: {  	s5 =	ssub.s32 $0x2, s2;
	s12 =	sor.u32 s2, s4;
	s11 =	sadd.s32 s11, s0  }
0xa: {  	s14 =	sshll.u32 s2, $0xC;
	s2 =	sshll.u32 s2, $0x5;
	s6 =	sshrl.u32 s5, $0x1  }
0xb: {  	s30 =	sshll.u32 s12, $0x5;
	s10 =	sor.u32 $0x20, s12;
	s8 =	sshll.u32 s12, $0xC  }
0xc: {  	s11 =	sadd.s32 s14, s11;
	s12 =	sor.u32 $0x60, s12;
	s14 =	simm.s32 $0x80  }
0xd: {  	s5 =	ssub.s32 s5, s6;
	s31 =	sadd.s32 s9, s30;
	s7 =	sshll.u32 s10, $0x5  }
0xe: {  	s8 =	sadd.s32 s0, s8;
	s10 =	sshll.u32 s10, $0xC;
	s5 =	smax.u32 s5, $0x1  }
0xf: {  	[dreg:$0x4] =	wrdreg s31;
	s7 =	sadd.s32 s9, s7;
	s9 =	sadd.s32 s13, s9  }
0x10: {  	s13 =	simm.s32 $0x5;
	[dreg:$0x3] =	wrdreg s5;
	s2 =	sadd.s32 s2, s9  }
0x11: {  	s9 =	sadd.s32 s0, s10;
	s10 =	sadd.s32 $0x60000, s11;
	s11 =	sadd.s32 $0xC00, s2  }
.LBB2_1:
0x12: {  	s0 =	rddreg [dreg:$0x4]  }
0x13: {  	[tilespmem:s3], [sflag:$0x5] =	stream.linear.gather [hbm4b:s0+s3], $0x100, $0x38;
	[tilespmem:$0x10200] =	vst v63  }
0x14: {  	_ =	swait.ge [sflag:s13], $0x100  }
0x15: {  	[sflag:s13] =	ssyncset.done $0x0  }
0x16: {  	[sflag:s13] =	ssyncadd.s32 $0xFFFFFF00  }
0x17: {  	[tilespmem:s15], [sflag:$0x1] =	stream.indirect.gather [hbm4b:s1+s14], $0x80, s3, s14, $0xb8;
	[tilespmem:$0x10200] =	vst v63  }
0x18: {  	s6 =	simm.s32 $0x4200  }
0x19: {  	[tilespmem:s6], [sflag:$0x1] =	stream.indirect.gather [hbm4b:s1+s14], $0x80, s14, s14, $0xb8;
	[tilespmem:$0x10200] =	vst v63  }
0x1a: {  	_ = 	snop  }
0x1b: {  	[tilespmem:s17], [sflag:$0x5] =	stream.linear.gather [hbm4b:s7+s3], $0x100, $0x38;
	[tilespmem:$0x10200] =	vst v63  }
0x1c: {  	_ =	swait.ge [sflag:s13], $0x100  }
0x1d: {  	[sflag:s13] =	ssyncset.done $0x0  }
0x1e: {  	[sflag:s13] =	ssyncadd.s32 $0xFFFFFF00  }
0x1f: {  	[tilespmem:s18], [sflag:$0x2] =	stream.indirect.gather [hbm4b:s1+s14], $0x80, s17, s14, $0xb8;
	[tilespmem:$0x10200] =	vst v63  }
0x20: {  	s16 =	simm.s32 $0x180;
	s2 =	simm.s32 $0xC200  }
0x21: {  	[tilespmem:s2], [sflag:$0x2] =	stream.indirect.gather [hbm4b:s1+s14], $0x80, s16, s14, $0xb8;
	[tilespmem:$0x10200] =	vst v63  }
0x22: {  	_ =	swait.ge [sflag:s21], $0x4000  }
0x23: {  	[sflag:s21] =	ssyncset.done $0x0  }
0x24: {  	[sflag:s21] =	ssyncadd.s32 $0xFFFFC000  }
0x25: {  	_ =	swait.ge [sflag:s21], $0x4000  }
0x26: {  	[sflag:s21] =	ssyncset.done $0x0  }
0x27: {  	[sflag:s21] =	ssyncadd.s32 $0xFFFFC000  }
0x28: {  	[hbm4b:s8+s3] =	stream.linear.scatter [tilespmem:s15], [sflag:$0x3], $0x8000, $0x38;
	[tilespmem:$0x10200] =	vst v63  }
0x29: {  	_ =	swait.ge [sflag:s22], $0x4000  }
0x2a: {  	[sflag:s22] =	ssyncset.done $0x0  }
0x2b: {  	[sflag:s22] =	ssyncadd.s32 $0xFFFFC000  }
0x2c: {  	_ =	swait.ge [sflag:s22], $0x4000  }
0x2d: {  	[sflag:s22] =	ssyncset.done $0x0  }
0x2e: {  	[sflag:s22] =	ssyncadd.s32 $0xFFFFC000  }
0x2f: {  	[hbm4b:s9+s3] =	stream.linear.scatter [tilespmem:s18], [sflag:$0x4], $0x8000, $0x38;
	[tilespmem:$0x10200] =	vst v63  }
0x30: {  	_ =	swait.ge [sflag:s23], $0x8000  }
0x31: {  	s19 =	sadd.s32 $0x0, s4;
	[sflag:s23] =	ssyncset.done $0x0  }
0x32: {  	s0 =	sadd.s32 $0x40, s19;
	[sflag:s23] =	ssyncadd.s32 $0xFFFF8000  }
0x33: {  	p2 =	sgt.u32 s0, $0x9C3;
	_ =	swait.ge [sflag:s24], $0x8000  }
0x34: {  	s0 =	sadd.s32 @!p2 $0xFFFFFC00, s11;
	[sflag:s24] =	ssyncset.done $0x0  }
0x35: {  	s26 =	simm.s32 @!p2 $0x0;
	s2 =	simm.s32 @!p2 $0x5;
	[sflag:s24] =	ssyncadd.s32 $0xFFFF8000  }
0x36: {  	[tilespmem:s26], [sflag:$0x5] =	stream.linear.gather @!p2 [hbm4b:s0+s26], $0x100, $0x38;
	[tilespmem:$0x10200] =	vst v63  }
0x37: {  	_ =	swait.ge @!p2 [sflag:s2], $0x100  }
0x38: {  	s20 =	sadd.s32 $0x0, s12;
	[sflag:s2] =	ssyncset.done @!p2 $0x0  }
0x39: {  	s28 =	simm.s32 @!p2 $0x200;
	s0 =	simm.s32 @!p2 $0x80;
	[sflag:s2] =	ssyncadd.s32 @!p2 $0xFFFFFF00  }
0x3a: {  	[tilespmem:s28], [sflag:$0x1] =	stream.indirect.gather @!p2 [hbm4b:s1+s0], $0x80, s26, s0, $0xb8;
	[tilespmem:$0x10200] =	vst v63  }
0x3b: {  	p1 =	sgt.u32 s20, $0x9C3;
	s29 =	simm.s32 @!p2 $0x4200  }
0x3c: {  	[tilespmem:s29], [sflag:$0x1] =	stream.indirect.gather @!p2 [hbm4b:s1+s0], $0x80, s0, s0, $0xb8;
	[tilespmem:$0x10200] =	vst v63  }
0x3d: {  	s31 =	simm.s32 @!p1 $0x0;
	s2 =	simm.s32 @!p1 $0x100;
	s29 =	simm.s32 @!p1 $0x5  }
0x3e: {  	[tilespmem:s2], [sflag:$0x5] =	stream.linear.gather @!p1 [hbm4b:s11+s31], $0x100, $0x38;
	[tilespmem:$0x10200] =	vst v63  }
0x3f: {  	_ =	swait.ge @!p1 [sflag:s29], $0x100  }
0x40: {  	[sflag:s29] =	ssyncset.done @!p1 $0x0  }
0x41: {  	s30 =	simm.s32 @!p1 $0x80;
	s0 =	simm.s32 @!p1 $0x8200;
	[sflag:s29] =	ssyncadd.s32 @!p1 $0xFFFFFF00  }
0x42: {  	[tilespmem:s0], [sflag:$0x2] =	stream.indirect.gather @!p1 [hbm4b:s1+s30], $0x80, s2, s30, $0xb8;
	[tilespmem:$0x10200] =	vst v63  }
0x43: {  	s29 =	simm.s32 @!p1 $0xC200;
	s2 =	simm.s32 @!p1 $0x180  }
0x44: {  	[tilespmem:s29], [sflag:$0x2] =	stream.indirect.gather @!p1 [hbm4b:s1+s30], $0x80, s2, s30, $0xb8;
	[tilespmem:$0x10200] =	vst v63  }
0x45: {  	s2 =	simm.s32 @!p2 $0x1  }
0x46: {  	_ =	swait.ge @!p2 [sflag:s2], $0x4000  }
0x47: {  	[sflag:s2] =	ssyncset.done @!p2 $0x0  }
0x48: {  	[sflag:s2] =	ssyncadd.s32 @!p2 $0xFFFFC000  }
0x49: {  	_ =	swait.ge @!p2 [sflag:s2], $0x4000  }
0x4a: {  	[sflag:s2] =	ssyncset.done @!p2 $0x0  }
0x4b: {  	s29 =	sadd.s32 @!p2 $0xFFFE0000, s10;
	[sflag:s2] =	ssyncadd.s32 @!p2 $0xFFFFC000;
	s2 =	simm.s32 @!p1 $0x2  }
0x4c: {  	[hbm4b:s29+s26] =	stream.linear.scatter @!p2 [tilespmem:s28], [sflag:$0x3], $0x8000, $0x38;
	[tilespmem:$0x10200] =	vst v63  }
0x4d: {  	_ =	swait.ge @!p1 [sflag:s2], $0x4000  }
0x4e: {  	[sflag:s2] =	ssyncset.done @!p1 $0x0  }
0x4f: {  	s30 =	smov.u32 s10;
	s26 =	simm.s32 $0x40;
	[sflag:s2] =	ssyncadd.s32 @!p1 $0xFFFFC000  }
0x50: {  	s28 =	sadd.s32 $0x800, s11;
	s29 =	smov.u32 s10;
	_ =	swait.ge @!p1 [sflag:s2], $0x4000  }
.LBB2_2:
0x51: {  	[sflag:s2] =	ssyncset.done @!p1 $0x0  }
0x52: {  	s29 =	sadd.s32 $0x40000, s29;
	s16 =	smov.u32 s26;
	s26 =	sadd.s32 $0x40, s26  }
0x53: {  	p2 =	sne.s32 s26, $0x9C0;
	[sflag:s2] =	ssyncadd.s32 @!p1 $0xFFFFC000  }
0x54: {  	[hbm4b:s30+s31] =	stream.linear.scatter @!p1 [tilespmem:s0], [sflag:$0x4], $0x8000, $0x38;
	[tilespmem:$0x10200] =	vst v63  }
0x55: {  	s30 =	smov.u32 s29;
	_ =	swait.ge [sflag:s23], $0x8000  }
0x56: {  	s0 =	sadd.s32 s16, s4;
	[sflag:s23] =	ssyncset.done $0x0  }
0x57: {  	s0 =	sadd.s32 $0x40, s0;
	[sflag:s23] =	ssyncadd.s32 $0xFFFF8000  }
0x58: {  	p3 =	sgt.u32 s0, $0x9C3;
	_ =	swait.ge [sflag:s24], $0x8000  }
0x59: {  	s0 =	sadd.s32 @!p3 $0xFFFFFC00, s28;
	s19 =	simm.s32 @!p3 $0x0;
	[sflag:s24] =	ssyncset.done $0x0  }
0x5a: {  	s2 =	simm.s32 @!p3 $0x5;
	[sflag:s24] =	ssyncadd.s32 $0xFFFF8000  }
0x5b: {  	[tilespmem:s19], [sflag:$0x5] =	stream.linear.gather @!p3 [hbm4b:s0+s19], $0x100, $0x38;
	[tilespmem:$0x10200] =	vst v63  }
0x5c: {  	_ =	swait.ge @!p3 [sflag:s2], $0x100  }
0x5d: {  	s20 =	simm.s32 @!p3 $0x200;
	s0 =	simm.s32 @!p3 $0x80;
	[sflag:s2] =	ssyncset.done @!p3 $0x0  }
0x5e: {  	s16 =	sadd.s32 s16, s12;
	[sflag:s2] =	ssyncadd.s32 @!p3 $0xFFFFFF00;
	s2 =	simm.s32 @!p3 $0x4200  }
0x5f: {  	[tilespmem:s20], [sflag:$0x1] =	stream.indirect.gather @!p3 [hbm4b:s1+s0], $0x80, s19, s0, $0xb8;
	[tilespmem:$0x10200] =	vst v63  }
0x60: {  	p1 =	sgt.u32 s16, $0x9C3  }
0x61: {  	s31 =	simm.s32 @!p1 $0x0;
	s16 =	simm.s32 @!p1 $0x100  }
0x62: {  	[tilespmem:s2], [sflag:$0x1] =	stream.indirect.gather @!p3 [hbm4b:s1+s0], $0x80, s0, s0, $0xb8;
	[tilespmem:$0x10200] =	vst v63  }
0x63: {  	s2 =	simm.s32 @!p1 $0x5  }
0x64: {  	[tilespmem:s16], [sflag:$0x5] =	stream.linear.gather @!p1 [hbm4b:s28+s31], $0x100, $0x38;
	[tilespmem:$0x10200] =	vst v63  }
0x65: {  	_ =	swait.ge @!p1 [sflag:s2], $0x100  }
0x66: {  	s5 =	simm.s32 @!p1 $0x80;
	s0 =	simm.s32 @!p1 $0x8200;
	[sflag:s2] =	ssyncset.done @!p1 $0x0  }
0x67: {  	s6 =	simm.s32 @!p1 $0xC200;
	[sflag:s2] =	ssyncadd.s32 @!p1 $0xFFFFFF00;
	s2 =	simm.s32 @!p1 $0x180  }
0x68: {  	[tilespmem:s0], [sflag:$0x2] =	stream.indirect.gather @!p1 [hbm4b:s1+s5], $0x80, s16, s5, $0xb8;
	[tilespmem:$0x10200] =	vst v63  }
0x69: {  	s16 =	simm.s32 @!p3 $0x1  }
0x6a: {  	[tilespmem:s6], [sflag:$0x2] =	stream.indirect.gather @!p1 [hbm4b:s1+s5], $0x80, s2, s5, $0xb8;
	[tilespmem:$0x10200] =	vst v63  }
0x6b: {  	_ =	swait.ge @!p3 [sflag:s16], $0x4000  }
0x6c: {  	[sflag:s16] =	ssyncset.done @!p3 $0x0  }
0x6d: {  	[sflag:s16] =	ssyncadd.s32 @!p3 $0xFFFFC000  }
0x6e: {  	_ =	swait.ge @!p3 [sflag:s16], $0x4000  }
0x6f: {  	s5 =	sadd.s32 @!p3 $0xFFFE0000, s29;
	[sflag:s16] =	ssyncset.done @!p3 $0x0  }
0x70: {  	s2 =	simm.s32 @!p1 $0x2;
	[sflag:s16] =	ssyncadd.s32 @!p3 $0xFFFFC000  }
0x71: {  	[hbm4b:s5+s19] =	stream.linear.scatter @!p3 [tilespmem:s20], [sflag:$0x3], $0x8000, $0x38;
	[tilespmem:$0x10200] =	vst v63  }
.Ltmp0:
0x72: {  	_ = 	snop;
	(pc) =	sbr.rel @p2 .LBB2_2-.Ltmp0, $4  }
0x73: {  	_ =	swait.ge @!p1 [sflag:s2], $0x4000  }
0x74: {  	[sflag:s2] =	ssyncset.done @!p1 $0x0  }
0x75: {  	[sflag:s2] =	ssyncadd.s32 @!p1 $0xFFFFC000  }
0x76: {  	s28 =	sadd.s32 $0x800, s28;
	_ =	swait.ge @!p1 [sflag:s2], $0x4000  }
0x77: {  	[sflag:s2] =	ssyncset.done @!p1 $0x0  }
0x78: {  	[sflag:s2] =	ssyncadd.s32 @!p1 $0xFFFFC000  }
0x79: {  	[hbm4b:s30+s31] =	stream.linear.scatter @!p1 [tilespmem:s0], [sflag:$0x4], $0x8000, $0x38;
	[tilespmem:$0x10200] =	vst v63  }
0x7a: {  	s0 =	simm.s32 @!p0 $0x3  }
0x7b: {  	_ =	swait.ge @!p0 [sflag:s0], $0x8000  }
0x7c: {  	s25 =	sadd.s32 $0x1, s25;
	s31 =	rddreg [dreg:$0x3]  }
0x7d: {  	p1 =	sne.s32 s25, s31  }
.Ltmp1:
0x7e: {  	_ = 	snop;
	(pc) =	sbr.rel @p1 .LBB2_1-.Ltmp1, $3  }
0x7f: {  	_ =	sdelay $0x1  }
0x80: {  	[sflag:s0] =	ssyncset.done @!p0 $0x0  }
0x81: {  	[sflag:s0] =	ssyncadd.s32 @!p0 $0xFFFF8000  }
0x82: {  	_ =	sfence.sel $0x180000  }
0x83: {  	[bflag:$0x0] =	sbarrier.arrive $0xFFFF  }
0x84: {  	_ =	strace $0x9000004A  }
0x85: {  	s0 =	stileid.u32;
	[bflag:$0x2] =	sbarrier.arrive $0xFFFF  }
0x86: {  	p0 =	sne.s32 s0, $0x0;
	s0 =	rddreg [dreg:$0x2]  }
0x87: {  	s0 =	sadd.s32 @!p0 $0x100000, s0  }
0x88: {  	[sflag:s0] =	ssyncadd.tile.s32 @!p0 $0x1;
	_ =	shalt  }
.Lfunc_end2:
_tile_overlayer_lowered:
.L_overlay_start_2:
0x89: {  	(tag) =	ssettag $0x2  }
0x8a: {  	s0 =	rddreg [dreg:$0x0];
	s2 =	stileid.u32  }
0x8b: {  	s1 =	rddreg [dreg:$0x1];
	p0 =	sne.s32 s2, $0x0  }
0x8c: {  	s3 =	rddreg [dreg:$0x2];
	[bflag:$0x3] =	sbarrier.arrive $0xFFFF;
	s2 =	simm.s32 @!p0 $0x1C05  }
0x8d: {  	[timem:s3], [sflag:s2] =	dma.local @!p0 [hbm:s0], s1  }
0x8e: {  	s0 =	simm.s32 @!p0 $0x5  }
0x8f: {  	_ =	swait.ge @!p0 [sflag:s0], s1  }
0x90: {  	s1 =	ssub.s32 @!p0 $0x0, s1;
	[sflag:s0] =	ssyncset.done @!p0 $0x0  }
0x91: {  	[sflag:s0] =	ssyncadd.s32 @!p0 s1  }
0x92: {  	[bflag:$0x3] =	sbarrier.arrive $0xFFFF  }
0x93: {  	_ =	shalt  }

// kernel: sparse-core-data-format-call.cloned.1.call-start
scs
called_computation_lowered:
.L_overlay_start_0:
0x0: {  	s2 =	sld [smem:$0x3FD9]  }
0x1: {  	s3 =	sld [smem:$0x3FFE];
	_ =	sdelay $0x1  }
0x2: {  	s1 =	srdreg.scid  }
0x3: {  	s0 =	sand.u32 $0x1, s1  }
0x4: {  	s18 =	sshll.u32 s0, $0xA;
	s2 =	sadd.s32 s3, s2  }
0x5: {  	s2 =	sadd.s32 s2, s18  }
0x6: {  	[smem:$0x3FC5] =	sst s2  }
0x7: {  	_ = 	snop  }
0x8: {  	s2 =	sld [smem:$0x3FC9];
	(tm) =	ssettm $0x1  }
0x9: {  	s19 =	sld [smem:$0x3FFB];
	_ =	sdelay $0x3  }
0xa: {  	_ =	strace s19  }
0xb: {  	s3 =	sld [smem:$0x3FFC];
	_ =	sdelay $0x3  }
0xc: {  	_ =	strace s3  }
0xd: {  	s3 =	sld [smem:$0x3FFD];
	_ =	sdelay $0x3  }
0xe: {  	_ =	strace s3  }
0xf: {  	_ =	strace $0x8FFFFFFF  }
0x10: {  	s20 =	sld [smem:$0x3FDB];
	_ =	sdelay $0x1  }
0x11: {  	s4 =	simm.s32 $_scs_section_size  }
0x12: {  	s5 =	simm.s32 $_size__tile_overlayer_lowered;
	s6 =	simm.s32 $_tile_overlayer_lowered  }
0x13: {  	s23 =	simm.s32 $0x1BFF;
	s22 =	sshll.u32 s6, $0x1;
	s3 =	sadd.s32 s4, s20  }
0x14: {  	s7 =	simm.s32 $0x0;
	s21 =	sshll.u32 s5, $0x1;
	s5 =	sadd.s32 s22, s3  }
0x15: {  	[timem:s7], [sflag:s23] =	dma.local [hbm:s5], s21  }
0x16: {  	_ =	swait.ge [sflag:s23], s21  }
0x17: {  	s4 =	ssub.s32 $0x0, s21;
	[sflag:s23] =	ssyncset.done $0x0  }
0x18: {  	[sflag:s23] =	ssyncadd.s32 s4;
	_ =	sdelay $0x1  }
0x19: {  	s24 =	simm.s32 $0x1B8B  }
0x1a: {  	_ =	swait.ge [sflag:s24], $0x1  }
0x1b: {  	[sflag:s24] =	ssyncset.done $0x0  }
0x1c: {  	s26 =	simm.s32 $0x1B8E;
	s25 =	sld [smem:$0x3FFE];
	[sflag:s24] =	ssyncadd.s32 $0xFFFFFFFF  }
0x1d: {  	s27 =	simm.s32 $execute0_lowered;
	[smem:$0x3FD2] =	sst s26  }
0x1e: {  	s5 =	sshll.u32 s27, $0x1;
	_ =	strace $0x80000046;
	[dreg:$0x1] =	wrdreg $0xFFFFFFFF  }
0x1f: {  	s28 =	simm.s32 $_size_execute0_lowered;
	s3 =	sadd.s32 s3, s5;
	[dreg:$0x0] =	wrdreg $0x0  }
0x20: {  	s5 =	sshll.u32 s28, $0x1;
	[dreg:$0x2] =	wrdreg s3  }
0x21: {  	[dreg:$0x3] =	wrdreg s5  }
0x22: {  	[dreg:$0x4] =	wrdreg $0xC0  }
0x23: {  	_ =	task [dreg:s7], $0x5FFFF  }
0x24: {  	[dreg:$0x1] =	wrdreg $0xFFFFFFFF  }
0x25: {  	[dreg:$0x0] =	wrdreg $0x60  }
0x26: {  	[dreg:$0x2] =	wrdreg s2  }
0x27: {  	[dreg:$0x3] =	wrdreg s25  }
0x28: {  	[dreg:$0x4] =	wrdreg $0x9  }
0x29: {  	_ =	task.clear_ibuf [dreg:s7], $0x5FFFF;
	_ =	strace $0x90000046  }
0x2a: {  	s29 =	simm.s32 $0x9;
	_ =	strace $0x80000048  }
0x2b: {  	_ =	swait.ge [sflag:s29], $0x1  }
0x2c: {  	[sflag:s29] =	ssyncadd.s32 $0xFFFFFFFF  }
0x2d: {  	_ =	strace $0x90000048  }
0x2e: {  	_ =	sfence  }
0x2f: {  	s30 =	sld [smem:$0x0];
	_ =	sdelay $0x2  }
0x30: {  	s31 =	sshll.u32 s1, $0xD;
	s1 =	sshrl.u32 s1, $0x2  }
0x31: {  	s3 =	sand.u32 $0x4000, s31;
	s1 =	sadd.s32 s1, s30  }
0x32: {  	s0 =	sor.u32 s3, s0;
	s1 =	sshll.u32 s1, $0x11  }
0x33: {  	s0 =	sor.u32 s1, s0  }
0x34: {  	s0 =	sadd.s32 $0x8F2B, s0  }
0x35: {  	[sflag:s0] =	ssyncadd.remote.s32 $0x1  }
0x36: {  	_ =	sfence.sel $0xFFFF  }
0x37: {  	[dreg:$0x0] =	wrdreg $0xFFFFFFFF;
	(pc) =	sbr.abs _section_cstart, $3  }
0x38: {  	[dreg:$0x1] =	wrdreg $0xFFFFFFFF  }
0x39: {  	_ =	task.clear_ibuf [dreg:s7], $0x2FFFF;
	_ =	strace $0x9FFFFFFF  }
0x3a: {  	(tm) =	ssettm $0x7FFFFFFF  }
0x3b: {  	_ =	shalt  }
tec
execute0_lowered:
.L_overlay_start_1:
0x0: {  	(tag) =	ssettag $0x1  }
0x1: {  	s2 =	rddreg [dreg:$0x0]  }
0x2: {  	s3 =	rddreg [dreg:$0x1]  }
0x3: {  	s1 =	srdreg.scid;
	s0 =	rddreg [dreg:$0x2];
	_ =	strace $0x80000047  }
0x4: {  	s7 =	simm.s32 $0x2;
	s19 =	simm.s32 $0x0;
	p0 =	por $0x0, $0x0  }
0x5: {  	s17 =	simm.s32 $0x0;
	s18 =	simm.s32 $0x0;
	s20 =	simm.s32 $0x0  }
0x6: {  	s8 =	simm.s32 $0x0;
	s9 =	simm.s32 $0x0;
	s11 =	simm.s32 $0x0  }
0x7: {  	s12 =	simm.s32 $0x0;
	s13 =	simm.s32 $0x0;
	s15 =	simm.s32 $0x0  }
.Ltmp0:
0x8: {  	s10 =	simm.s32 $0x0;
	s4 =	sshll.u32 s1, $0x4;
	(pc) =	sbr.rel .LBB1_1-.Ltmp0, $4  }
0x9: {  	s1 =	stileid.u32;
	s3 =	sadd.s32 $0x1600, s3;
	s4 =	sand.u32 $0x10, s4  }
0xa: {  	s5 =	sand.u32 $0x3, s1;
	s6 =	sor.u32 s1, s4;
	s4 =	simm.s32 $0x1  }
0xb: {  	s16 =	smov.u32 s5;
	[sflag:s4] =	ssyncpa.u1 $0x0;
	s6 =	sshrl.u32 s6, $0x2  }
0xc: {  	[sflag:s7] =	ssyncpa.u1 $0x0;
	s7 =	simm.s32 $0x800;
	s14 =	smov.u32 s6  }
.LBB1_5:
0xd: {  	p1 =	slt.u32 s10, $0x2;
	s21 =	smov.u32 s20  }
0xe: {  	s24 =	smov.u32 s16;
	s10 =	sadd.s32 $0x1, s10;
	p2 =	sgt.s32 @!p1 s20, $0x3  }
0xf: {  	p0 =	por !p0, !p0;
	s22 =	sshra.s32 @!p1 s20, $0x1F;
	p2 =	por !p2, p1  }
0x10: {  	s23 =	sshra.s32 @!p1 s19, $0x1F;
	s20 =	sand.u32 @!p1 s22, s20;
	s21 =	simm.s32 @p2 $0x3  }
0x11: {  	s22 =	smov.u32 s19;
	p2 =	sgt.s32 @!p1 s19, $0x2690;
	s20 =	ssub.s32 @!p1 s21, s20  }
0x12: {  	s19 =	sand.u32 @!p1 s23, s19;
	p2 =	por !p2, p1;
	s21 =	sadd.s32 @!p1 $0xFFFFFFFD, s20  }
0x13: {  	s22 =	simm.s32 @p2 $0x2690;
	s20 =	ssub.s32 @!p1 $0x4, s20;
	p3 =	sgt.s32 @!p1 s21, $0x0  }
0x14: {  	s19 =	ssub.s32 @!p1 s22, s19;
	s22 =	sshra.s32 @!p1 s18, $0x1F;
	p2 =	por !p3, p1  }
0x15: {  	s21 =	sadd.s32 @!p1 $0xFFFFD970, s19;
	p3 =	sgt.s32 @!p1 s18, $0x40;
	s19 =	ssub.s32 @!p1 $0x2710, s19  }
0x16: {  	s20 =	simm.s32 @!p2 $0x0;
	p2 =	sgt.s32 @!p1 s21, $0x7F;
	p3 =	por !p3, p1  }
0x17: {  	s21 =	smov.u32 s18;
	s18 =	sand.u32 @!p1 s22, s18;
	s22 =	smov.u32 s17  }
0x18: {  	s21 =	simm.s32 @p3 $0x40;
	p3 =	sgt.s32 @!p1 s17, $0xF;
	p2 =	por !p2, p1  }
0x19: {  	p3 =	por !p3, p1;
	s18 =	ssub.s32 @!p1 s21, s18;
	s21 =	sshra.s32 @!p1 s17, $0x1F  }
0x1a: {  	s22 =	simm.s32 @p3 $0xF;
	s17 =	sand.u32 @!p1 s21, s17;
	s21 =	sadd.s32 @!p1 $0xFFFFFFC0, s18  }
0x1b: {  	s18 =	ssub.s32 @!p1 $0x80, s18;
	s17 =	ssub.s32 @!p1 s22, s17;
	p3 =	sgt.s32 @!p1 s21, $0x3F  }
0x1c: {  	s22 =	smov.u32 s14;
	s21 =	sadd.s32 @!p1 $0xFFFFFFF1, s17;
	p3 =	por !p3, p1  }
0x1d: {  	s17 =	ssub.s32 @!p1 $0x10, s17;
	s18 =	simm.s32 @!p3 $0x0;
	p3 =	sgt.s32 @!p1 s21, $0x0  }
0x1e: {  	s21 =	sadd.s32 $0x80, s13;
	p3 =	por !p3, p1;
	s18 =	smul.u32 @!p1 s20, s18  }
0x1f: {  	s20 =	sadd.s32 $0x8, s14;
	s17 =	simm.s32 @!p3 $0x0;
	p3 =	sgt.s32 s21, $0x270F  }
0x20: {  	s23 =	smov.u32 s15;
	s19 =	simm.s32 @!p2 $0x0;
	s22 =	smov.u32 @p3 s20  }
0x21: {  	s17 =	smul.u32 @!p1 s17, s18;
	s18 =	sadd.s32 $0x40, s15;
	p2 =	sgt.s32 s22, $0xF  }
0x22: {  	s25 =	simm.s32 @!p1 $0x2;
	s21 =	simm.s32 @p3 $0x0;
	s23 =	smov.u32 @p2 s18  }
0x23: {  	s20 =	smov.u32 s12;
	s18 =	sadd.s32 $0x4, s16;
	p3 =	sgt.s32 s23, $0x3F  }
0x24: {  	s12 =	smov.u32 s16;
	s17 =	smul.u32 @!p1 s19, s17;
	s24 =	smov.u32 @p3 s18  }
0x25: {  	s22 =	smov.u32 @p2 s6;
	s19 =	smov.u32 s8;
	p2 =	sgt.s32 s24, $0x3  }
0x26: {  	s8 =	smov.u32 s13;
	s24 =	smov.u32 @p2 s5;
	p2 =	sne.s32 s10, $0xA0  }
.Ltmp1:
0x27: {  	s13 =	smov.u32 s21;
	s17 =	sand.u32 @!p1 $0x3FFFFFFF, s17;
	(pc) =	sbr.rel @!p2 .LBB1_6-.Ltmp1, $4  }
0x28: {  	s23 =	simm.s32 @p3 $0x0;
	s18 =	smov.u32 s11;
	s11 =	smov.u32 s15  }
0x29: {  	_ =	swait.ge @!p1 [sflag:s25], s17;
	s26 =	ssub.s32 @!p1 $0x0, s17;
	s17 =	smov.u32 s9  }
0x2a: {  	s9 =	smov.u32 s14;
	s14 =	smov.u32 s22;
	[sflag:s25] =	ssyncset.done @!p1 $0x0  }
0x2b: {  	s15 =	smov.u32 s23;
	[sflag:s25] =	ssyncadd.s32 @!p1 s26;
	s16 =	smov.u32 s24  }
.LBB1_1:
0x2c: {  	p1 =	sgt.u32 s10, $0x9D  }
0x2d: {  	s21 =	sshrl.u32 @!p1 s14, $0x3  }
0x2e: {  	s22 =	sshll.u32 @!p1 s13, $0x3;
	s21 =	smul.u32 @!p1 $0x13C00, s21  }
0x2f: {  	s23 =	sshll.u32 @!p1 s14, $0x7;
	s22 =	sand.u32 @!p1 $0xFFFFFC00, s22  }
0x30: {  	s21 =	sadd.s32 @!p1 s21, s22;
	s22 =	sand.u32 @!p1 $0x380, s23  }
0x31: {  	s23 =	sand.u32 @!p1 $0x7F, s13;
	s21 =	sor.u32 @!p1 s22, s21  }
0x32: {  	s22 =	sor.u32 @!p1 s23, s21  }
0x33: {  	s23 =	smulhi.u32 @!p1 $0xCF6474A9, s22  }
0x34: {  	s21 =	smulhi.u32 @!p1 $0xCF6474A9, s21  }
0x35: {  	s25 =	smul.u32 @!p1 $0x13C000, s16;
	s23 =	sshrl.u32 @!p1 s23, $0xD  }
0x36: {  	s24 =	sxor.u32 @!p1 $0xFFFFFFFF, s10;
	s21 =	sshrl.u32 @!p1 s21, $0xD;
	s23 =	smul.u32 @!p1 $0x2780, s23  }
0x37: {  	s26 =	smul.u32 @!p1 $0x4F00, s15;
	s24 =	sshll.u32 @!p1 s24, $0xD;
	s21 =	sand.u32 @!p1 $0xF, s21  }
0x38: {  	s21 =	smul.u32 @!p1 $0x4F0, s21;
	s22 =	ssub.s32 @!p1 s22, s23;
	s23 =	sadd.s32 @!p1 s2, s25  }
0x39: {  	s24 =	sand.u32 @!p1 $0x2000, s24;
	s23 =	sadd.s32 @!p1 s26, s23;
	s25 =	sand.u32 @!p1 $0x7, s22  }
0x3a: {  	s22 =	sshrl.u32 @!p1 s22, $0x3;
	s21 =	sadd.s32 @!p1 s21, s23;
	s23 =	sshll.u32 @!p1 s25, $0x12  }
0x3b: {  	s21 =	sadd.s32 @!p1 s22, s21;
	s22 =	sor.u32 @!p1 $0x80, s23;
	s23 =	simm.s32 @!p1 $0x27800  }
0x3c: {  	[tilespmem:s24], [sflag:$0x1] =	stream.strided.gather @!p1 [hbm4b:s21+s22], $0x2000, s23, s22, $0x38;
	[tilespmem:$0x8100] =	vst v63  }
0x3d: {  	p1 =	seq.s32 s10, $0x0  }
0x3e: {  	p2 =	seq.s32 @!p1 s10, $0x9F  }
0x3f: {  	p1 =	por p1, p2  }
.Ltmp2:
0x40: {  	_ = 	snop;
	(pc) =	sbr.rel @p1 .LBB1_5-.Ltmp2, $1  }
0x41: {  	_ =	sdelay $0x3  }
0x42: {  	s21 =	simm.s32 $0x1  }
0x43: {  	_ =	swait.ge [sflag:s4], $0x2000;
	s21 =	simm.s32 @!p0 $0x0  }
0x44: {  	[sflag:s4] =	ssyncset.done $0x0;
	s22 =	sshll.u32 s21, $0xD  }
0x45: {  	[sflag:s4] =	ssyncadd.s32 $0xFFFFE000;
	s22 =	sor.u32 $0x40, s22  }
0x46: {  	s21 =	smul.u32 $0x8200, s21;
	v0 =	vld [tilespmem:s22+$0x30]  }
0x47: {  	v1 =	vld [tilespmem:s22+$0xFFFFFFD0]  }
0x48: {  	s21 =	sshrl.u32 s21, $0x2;
	v5 =	vld [tilespmem:s22+$0xFFFFFFE0]  }
0x49: {  	v6 =	vld [tilespmem:s22+$0xFFFFFFF0];
	s24 =	sor.u32 $0x4000, s21  }
0x4a: {  	s31 =	sand.u32 $0x1, s10;
	v4 =	vld [tilespmem:s22+$0x0];
	s23 =	sadd.s32 $0x0, s24  }
0x4b: {  	v3 =	vld [tilespmem:s22+$0x10];
	s21 =	smul.u32 $0x8200, s31;
	[tilespmem:s23+$0x1C70 ss:$0x41] =	vst.msk $0xffff, v0  }
0x4c: {  	v2 =	vld [tilespmem:s22+$0x20];
	[tilespmem:s23+$0x410 ss:$0x41] =	vst.msk $0xffff, v1  }
0x4d: {  	s21 =	sshrl.u32 s21, $0x2;
	v1 =	vld [tilespmem:s22+$0xFFFFFFC0];
	[tilespmem:s23+$0x820 ss:$0x41] =	vst.msk $0xffff, v5;
	s22 =	sadd.s32 $0x80, s22  }
0x4e: {  	s25 =	simm.s32 $0x4;
	s26 =	simm.s32 $0x8;
	s21 =	sor.u32 $0x4000, s21;
	[tilespmem:s23+$0xC30 ss:$0x41] =	vst.msk $0xffff, v6;
	v0 =	vld [tilespmem:s22+$0x30]  }
.LBB1_3:
0x4f: {  	p1 =	sne.s32 s26, $0xFC;
	v5 =	vld [tilespmem:s22+$0xFFFFFFD0];
	[tilespmem:s23+$0x1040 ss:$0x41] =	vst.msk $0xffff, v4  }
0x50: {  	v6 =	vld [tilespmem:s22+$0xFFFFFFE0];
	[tilespmem:s23+$0x1450 ss:$0x41] =	vst.msk $0xffff, v3  }
0x51: {  	s27 =	sshra.s32 s25, $0x2;
	s25 =	smov.u32 s26;
	v7 =	vld [tilespmem:s22+$0xFFFFFFF0];
	[tilespmem:s23+$0x1860 ss:$0x41] =	vst.msk $0xffff, v2  }
.Ltmp3:
0x52: {  	v4 =	vld [tilespmem:s22+$0x0];
	[tilespmem:s23+$0x0 ss:$0x41] =	vst.msk $0xffff, v1;
	s23 =	sadd.s32 s27, s24;
	(pc) =	sbr.rel @p1 .LBB1_3-.Ltmp3, $4  }
0x53: {  	v3 =	vld [tilespmem:s22+$0x10];
	[tilespmem:s23+$0x1C70 ss:$0x41] =	vst.msk $0xffff, v0  }
0x54: {  	[tilespmem:s23+$0x410 ss:$0x41] =	vst.msk $0xffff, v5;
	v2 =	vld [tilespmem:s22+$0x20]  }
0x55: {  	v1 =	vld [tilespmem:s22+$0xFFFFFFC0];
	[tilespmem:s23+$0x820 ss:$0x41] =	vst.msk $0xffff, v6;
	s22 =	sadd.s32 $0x80, s22  }
0x56: {  	s26 =	sadd.s32 $0x4, s26;
	v0 =	vld [tilespmem:s22+$0x30];
	[tilespmem:s23+$0xC30 ss:$0x41] =	vst.msk $0xffff, v7  }
0x57: {  	s25 =	sshra.s32 s25, $0x2  }
0x58: {  	p1 =	sgt.s32 s12, $0x3;
	s26 =	smov.u32 s12;
	s27 =	sshra.s32 s12, $0x1F  }
0x59: {  	s28 =	sshll.u32 s11, $0x3;
	p2 =	sgt.s32 s11, $0x40;
	s31 =	sshra.s32 s9, $0x1F  }
0x5a: {  	s24 =	sadd.s32 s25, s24;
	s25 =	sshll.u32 s9, $0x7;
	s26 =	simm.s32 @!p1 $0x3  }
0x5b: {  	s27 =	sand.u32 s27, s12;
	s28 =	sand.u32 $0x400, s28;
	s31 =	sand.u32 s31, s9  }
0x5c: {  	s29 =	sand.u32 $0x400, s25;
	s26 =	ssub.s32 s26, s27;
	s25 =	sand.u32 $0x380, s25  }
0x5d: {  	s27 =	sadd.s32 s28, s29;
	s30 =	sadd.s32 $0xFFFFFFFD, s26;
	s29 =	smov.u32 s11  }
0x5e: {  	s28 =	sshra.s32 s11, $0x1F;
	s26 =	ssub.s32 $0x4, s26;
	p1 =	sgt.s32 s30, $0x0  }
0x5f: {  	s29 =	simm.s32 @!p2 $0x40;
	p2 =	sgt.s32 s9, $0xF;
	s28 =	sand.u32 s28, s11  }
0x60: {  	s30 =	smov.u32 s9;
	s25 =	sor.u32 s25, s27;
	s28 =	ssub.s32 s29, s28  }
0x61: {  	s30 =	simm.s32 @!p2 $0xF;
	s26 =	simm.s32 @p1 $0x0;
	p2 =	sgt.s32 s8, $0x2690  }
0x62: {  	v5 =	vld [tilespmem:s22+$0xFFFFFFD0];
	[tilespmem:s23+$0x1040 ss:$0x41] =	vst.msk $0xffff, v4;
	s29 =	ssub.s32 s30, s31;
	s31 =	sadd.s32 $0xFFFFFFC0, s28;
	s28 =	ssub.s32 $0x80, s28  }
0x63: {  	v58 =	vld [tilespmem:s22+$0xFFFFFFE0];
	[tilespmem:s23+$0x1450 ss:$0x41] =	vst.msk $0xffff, v3;
	s30 =	smov.u32 s8;
	p1 =	sgt.s32 s31, $0x3F;
	s31 =	sadd.s32 $0xFFFFFFF1, s29  }
0x64: {  	v59 =	vld [tilespmem:s22+$0xFFFFFFF0];
	[tilespmem:s23+$0x1860 ss:$0x41] =	vst.msk $0xffff, v2;
	s28 =	simm.s32 @p1 $0x0;
	p1 =	sgt.s32 s31, $0x0;
	s31 =	sshra.s32 s8, $0x1F  }
0x65: {  	v60 =	vld [tilespmem:s22+$0x0];
	[tilespmem:s23+$0x0 ss:$0x41] =	vst.msk $0xffff, v1;
	s25 =	sshrl.u32 s25, $0x3;
	s30 =	simm.s32 @!p2 $0x2690;
	s31 =	sand.u32 s31, s8  }
0x66: {  	v61 =	vld [tilespmem:s22+$0x10];
	[tilespmem:s24+$0x1C70 ss:$0x41] =	vst.msk $0xffff, v0;
	s26 =	smul.u32 s26, s28;
	s28 =	ssub.s32 $0x10, s29;
	s23 =	ssub.s32 s30, s31  }
0x67: {  	v62 =	vld [tilespmem:s22+$0x20];
	[tilespmem:s24+$0x410 ss:$0x41] =	vst.msk $0xffff, v5;
	s28 =	simm.s32 @p1 $0x0;
	s30 =	smul.u32 $0x271000, s12;
	s31 =	sshrl.u32 s11, $0x3  }
0x68: {  	v63 =	vld [tilespmem:s22+$0xFFFFFFC0];
	[tilespmem:s24+$0x820 ss:$0x41] =	vst.msk $0xffff, v58;
	s26 =	smul.u32 s28, s26;
	s29 =	sadd.s32 $0xFFFFD970, s23;
	s22 =	ssub.s32 $0x2710, s23  }
0x69: {  	[tilespmem:s24+$0xC30 ss:$0x41] =	vst.msk $0xffff, v59;
	s28 =	sand.u32 $0xF, s31;
	p1 =	sgt.s32 s29, $0x7F;
	s23 =	sadd.s32 s3, s30  }
.Ltmp4:
0x6a: {  	[tilespmem:s24+$0x1040 ss:$0x41] =	vst.msk $0xffff, v60;
	s29 =	sshll.u32 s8, $0x8;
	s22 =	simm.s32 @p1 $0x0;
	(pc) =	sbr.rel .LBB1_5-.Ltmp4, $4  }
0x6b: {  	[tilespmem:s24+$0x1450 ss:$0x41] =	vst.msk $0xffff, v61;
	s30 =	sand.u32 $0x7, s11;
	s23 =	sadd.s32 s28, s23;
	s22 =	smul.u32 s22, s26  }
0x6c: {  	[tilespmem:s24+$0x1860 ss:$0x41] =	vst.msk $0xffff, v62;
	s25 =	sand.u32 $0xF0, s25;
	s23 =	sadd.s32 s29, s23;
	s26 =	sshll.u32 s30, $0x12  }
0x6d: {  	[tilespmem:s24+$0x0 ss:$0x41] =	vst.msk $0xffff, v63;
	s23 =	sadd.s32 s25, s23;
	s31 =	sor.u32 $0x40, s26;
	s22 =	sand.u32 $0x3FFFFFFF, s22  }
0x6e: {  	[hbm4b:s23+s31] =	stream.strided.scatter [tilespmem:s21], [sflag:$0x2], s22, s7, s31, $0x18;
	[tilespmem:$0x8100] =	vst v63  }
.LBB1_6:
0x6f: {  	_ =	sfence.sel $0x180000  }
0x70: {  	s2 =	simm.s32 $0x1;
	[bflag:$0x0] =	sbarrier.arrive $0xFFFF  }
0x71: {  	s31 =	simm.s32 $0x2;
	[sflag:s2] =	ssyncpa.u1 $0x1  }
0x72: {  	[sflag:s31] =	ssyncpa.u1 $0x1  }
0x73: {  	p0 =	sne.s32 s1, $0x0;
	_ =	strace $0x90000047  }
0x74: {  	s0 =	sadd.s32 @!p0 $0x100000, s0;
	[bflag:$0x2] =	sbarrier.arrive $0xFFFF  }
0x75: {  	[sflag:s0] =	ssyncadd.tile.s32 @!p0 $0x1;
	_ =	shalt  }
.Lfunc_end1:
_tile_overlayer_lowered:
.L_overlay_start_2:
0x76: {  	(tag) =	ssettag $0x2  }
0x77: {  	s0 =	rddreg [dreg:$0x0];
	s2 =	stileid.u32  }
0x78: {  	s1 =	rddreg [dreg:$0x1];
	p0 =	sne.s32 s2, $0x0  }
0x79: {  	s3 =	rddreg [dreg:$0x2];
	[bflag:$0x3] =	sbarrier.arrive $0xFFFF;
	s2 =	simm.s32 @!p0 $0x1C01  }
0x7a: {  	[timem:s3], [sflag:s2] =	dma.local @!p0 [hbm:s0], s1  }
0x7b: {  	s0 =	simm.s32 @!p0 $0x1  }
0x7c: {  	_ =	swait.ge @!p0 [sflag:s0], s1  }
0x7d: {  	s1 =	ssub.s32 @!p0 $0x0, s1;
	[sflag:s0] =	ssyncset.done @!p0 $0x0  }
0x7e: {  	[sflag:s0] =	ssyncadd.s32 @!p0 s1  }
0x7f: {  	[bflag:$0x3] =	sbarrier.arrive $0xFFFF  }
0x80: {  	_ =	shalt  }

</sc_bundles>
